<compile_context>
chip_gen: v7x
topology: tpu7x:2x2x1
jax: 0.10.2.dev20260603
libtpu: 0.0.44.dev20260713+nightly
codegen_flags: <defaults>
</compile_context>

<pallas_src>
import jax
import jax.numpy as jnp
import numpy as np
from jax import lax
from jax.experimental import pallas as pl
from jax.experimental.pallas import tpu as pltpu
from jax.experimental.pallas import tpu_sc as plsc

D_MODEL = 128
VOCAB = 100000
B = 1024
L = 200

NC = 2
NS = 16
NW = NC * NS
ROWS = B * L
ROWS_PER_W = ROWS // NW
SEQ_PER_CHUNK = 2
CHUNK = SEQ_PER_CHUNK * L
NCHUNK = ROWS_PER_W // CHUNK
LANES = 16
DSLICES = D_MODEL // LANES


def _pe_table() -> np.ndarray:
    pos = np.arange(L, dtype=np.float32)[:, None]
    dim = np.arange(0, D_MODEL, 2, dtype=np.float32)
    angle = pos / np.power(10000.0, dim / D_MODEL)
    pe = np.zeros((L, D_MODEL), dtype=np.float32)
    pe[:, 0::2] = np.sin(angle)
    pe[:, 1::2] = np.cos(angle)
    return pe


_PE = _pe_table()


def _sc_body(
    x_hbm, pe_hbm, table_hbm, out_hbm, idxs, pe_v, bufs, isems, gsems, osems
):
    wid = lax.axis_index("s") * NC + lax.axis_index("c")
    base = wid * ROWS_PER_W

    pltpu.sync_copy(pe_hbm, pe_v)

    def start_gather(slot):
        return pltpu.async_copy(
            table_hbm.at[idxs[slot]], bufs[slot], gsems[slot]
        )

    def idx_copy(c, slot):
        return pltpu.make_async_copy(
            x_hbm.at[pl.ds(base + c * CHUNK, CHUNK)], idxs[slot], isems[slot]
        )

    pltpu.sync_copy(x_hbm.at[pl.ds(base, CHUNK)], idxs[0])
    start_gather(0)
    idx_copy(1, 1).start()

    @pl.loop(0, NCHUNK, step=2)
    def _group(c0):
        for b in range(2):
            c = c0 + b
            cur = b
            oth = 1 - b

            pltpu.make_async_copy(
                table_hbm.at[idxs[cur]], bufs[cur], gsems[cur]
            ).wait()

            @pl.when(c >= 1)
            def _():
                pltpu.make_async_copy(
                    bufs[oth],
                    out_hbm.at[pl.ds(base + (c - 1) * CHUNK, CHUNK)],
                    osems[oth],
                ).wait()

            @pl.loop(0, L, unroll=2)
            def _row(r):
                for s in range(DSLICES):
                    sl = pl.ds(s * LANES, LANES)
                    p = pe_v[r, sl]
                    for q in range(SEQ_PER_CHUNK):
                        plsc.addupdate(bufs[cur].at[q * L + r, sl], p)

            pltpu.async_copy(
                bufs[cur],
                out_hbm.at[pl.ds(base + c * CHUNK, CHUNK)],
                osems[cur],
            )

            @pl.when(c + 1 < NCHUNK)
            def _():
                idx_copy(c + 1, oth).wait()
                start_gather(oth)

            @pl.when(c + 2 < NCHUNK)
            def _():
                idx_copy(c + 2, cur).start()

    last = NCHUNK - 1
    pltpu.make_async_copy(
        bufs[last % 2],
        out_hbm.at[pl.ds(base + last * CHUNK, CHUNK)],
        osems[last % 2],
    ).wait()


@jax.jit
def _sc_embed(x_flat, pe, table):
    mesh = plsc.VectorSubcoreMesh(core_axis_name="c", subcore_axis_name="s")
    return pl.kernel(
        _sc_body,
        out_type=jax.ShapeDtypeStruct((ROWS, D_MODEL), jnp.float32),
        mesh=mesh,
        scratch_types=[
            [pltpu.VMEM((CHUNK,), jnp.int32) for _ in range(2)],
            pltpu.VMEM((L, D_MODEL), jnp.float32),
            [pltpu.VMEM((CHUNK, D_MODEL), jnp.float32) for _ in range(2)],
            [pltpu.SemaphoreType.DMA for _ in range(2)],
            [pltpu.SemaphoreType.DMA for _ in range(2)],
            [pltpu.SemaphoreType.DMA for _ in range(2)],
        ],
    )(x_flat, pe, table)


def kernel(x, table):
    x_flat = x.reshape(ROWS).astype(jnp.int32)
    pe = jnp.asarray(_PE)
    out = _sc_embed(x_flat, pe, table)
    return out.reshape(B, L, D_MODEL)

# --- scband reference (transcript-rebuilt; emitter-appended) ---
"""Pipeline reference for scband-embedding-67731634258744 (READ-ONLY COPY).

The authoritative reference and input builder live on the scoring server;
editing this copy changes nothing except your own understanding.
"""

import jax, jax.numpy as jnp
import numpy as np

D_MODEL = 128
VOCAB = 100000
PAD = 0
B = 1024
L = 200


def positional_encoding(seq_len, d_model):
    pos = jnp.arange(0, seq_len, dtype=jnp.float32)[:, None]
    dim = jnp.arange(0, d_model, 2, dtype=jnp.float32)
    angle = pos / jnp.power(10000.0, dim / d_model)
    pe = jnp.zeros((seq_len, d_model), dtype=jnp.float32)
    pe = pe.at[:, 0::2].set(jnp.sin(angle))
    pe = pe.at[:, 1::2].set(jnp.cos(angle))
    return pe


def setup_inputs(seed: int = 0) -> dict:
    key = jax.random.key(seed)
    k1, k2 = jax.random.split(key)
    x = jax.random.randint(k1, (B, L), 0, VOCAB, dtype=jnp.int64)
    table = jax.random.normal(k2, (VOCAB, D_MODEL), dtype=jnp.float32)
    table = table.at[PAD].set(0.0)  # padding_idx row is zero
    return {"x": x, "table": table}


def reference(x, table):
    # nn.Embedding with padding_idx: padding row contributes zeros
    tab = table.at[PAD].set(0.0)
    emb = jnp.take(tab, x, axis=0)  # [B, L, D]
    pe = positional_encoding(x.shape[1], D_MODEL)  # [L, D]
    # dropout in eval mode -> identity
    return emb + pe[None, :, :]

if __name__ == "__main__":
    import jax
    _d = setup_inputs()
    print(jax.jit(kernel)(*tuple(_d.values())))

</pallas_src>

<mosaic_0001>
#map = affine_map<(d0, d1) -> (0)>
#map1 = affine_map<(d0, d1) -> (0, 0)>
module attributes {stable_mosaic.version = 14 : i64} {
  func.func @_sc_body(%arg0: i32, %arg1: i32, %arg2: memref<204800xi32, #tpu.memory_space<hbm>>, %arg3: memref<200x128xf32, #tpu.memory_space<hbm>>, %arg4: memref<100000x128xf32, #tpu.memory_space<hbm>>, %arg5: memref<204800x128xf32, #tpu.memory_space<hbm>>, %arg6: memref<400xi32, #tpu.memory_space<vmem>>, %arg7: memref<400xi32, #tpu.memory_space<vmem>>, %arg8: memref<200x128xf32, #tpu.memory_space<vmem>>, %arg9: memref<400x128xf32, #tpu.memory_space<vmem>>, %arg10: memref<400x128xf32, #tpu.memory_space<vmem>>, %arg11: memref<!tpu.dma_semaphore, #tpu.memory_space<semaphore_mem>>, %arg12: memref<!tpu.dma_semaphore, #tpu.memory_space<semaphore_mem>>, %arg13: memref<!tpu.dma_semaphore, #tpu.memory_space<semaphore_mem>>, %arg14: memref<!tpu.dma_semaphore, #tpu.memory_space<semaphore_mem>>, %arg15: memref<!tpu.dma_semaphore, #tpu.memory_space<semaphore_mem>>, %arg16: memref<!tpu.dma_semaphore, #tpu.memory_space<semaphore_mem>>) attributes {dimension_semantics = [#tpu.dimension_semantics<core_parallel>, #tpu.dimension_semantics<subcore_parallel>], iteration_bounds = array<i64: 2, 16>, scalar_prefetch = 0 : i64, scratch_operands = 11 : i64, tpu.core_type = #tpu.core_type<sc_vector_subcore>, window_params = [{transform_indices = #map}, {transform_indices = #map1}, {transform_indices = #map1}, {transform_indices = #map1}]} {
    %mul3A = arith.constant 2 : i32
    %mul3A_0 = arith.muli %arg1, %mul3A : i32
    %add3A = arith.addi %mul3A_0, %arg0 : i32
    %mul3A_1 = arith.constant 6400 : i32
    %mul3A_2 = arith.muli %add3A, %mul3A_1 : i32
    "tpu.region"() ({
      %run_scoped3A = tpu.sem_alloc : memref<!tpu.dma_semaphore, #tpu.memory_space<semaphore_mem>>
      tpu.enqueue_dma source(%arg3 : memref<200x128xf32, #tpu.memory_space<hbm>>) target(%arg8 : memref<200x128xf32, #tpu.memory_space<vmem>>) target_semaphore(%run_scoped3A : memref<!tpu.dma_semaphore, #tpu.memory_space<semaphore_mem>>)
      tpu.wait_dma2 semaphore(%run_scoped3A : memref<!tpu.dma_semaphore, #tpu.memory_space<semaphore_mem>>) src(%arg3 : memref<200x128xf32, #tpu.memory_space<hbm>>) dst(%arg8 : memref<200x128xf32, #tpu.memory_space<vmem>>)
      tpu.yield
    }) : () -> ()
    "tpu.region"() ({
      %run_scoped3A = tpu.sem_alloc : memref<!tpu.dma_semaphore, #tpu.memory_space<semaphore_mem>>
      %dma_start3A_18 = tpu.memref_slice %arg2[%mul3A_2] : memref<204800xi32, #tpu.memory_space<hbm>> -> memref<400xi32, #tpu.memory_space<hbm>>
      %dma_start3A_19 = tpu.memref_slice %arg2[%mul3A_2] : memref<204800xi32, #tpu.memory_space<hbm>> -> memref<400xi32, #tpu.memory_space<hbm>>
      tpu.enqueue_dma source(%dma_start3A_19 : memref<400xi32, #tpu.memory_space<hbm>>) target(%arg6 : memref<400xi32, #tpu.memory_space<vmem>>) target_semaphore(%run_scoped3A : memref<!tpu.dma_semaphore, #tpu.memory_space<semaphore_mem>>)
      %dma_wait3A_20 = tpu.memref_slice %arg2[%mul3A_2] : memref<204800xi32, #tpu.memory_space<hbm>> -> memref<400xi32, #tpu.memory_space<hbm>>
      %dma_wait3A_21 = tpu.memref_slice %arg2[%mul3A_2] : memref<204800xi32, #tpu.memory_space<hbm>> -> memref<400xi32, #tpu.memory_space<hbm>>
      tpu.wait_dma2 semaphore(%run_scoped3A : memref<!tpu.dma_semaphore, #tpu.memory_space<semaphore_mem>>) src(%dma_wait3A_21 : memref<400xi32, #tpu.memory_space<hbm>>) dst(%arg6 : memref<400xi32, #tpu.memory_space<vmem>>)
      tpu.yield
    }) : () -> ()
    %dma_start3A = arith.constant 0 : i32
    %dma_start3A_3 = arith.constant 0 : i32
    %dma_start3A_4 = tpu.memref_slice %arg4[%dma_start3A, %dma_start3A_3] : memref<100000x128xf32, #tpu.memory_space<hbm>> -> memref<100000x128xf32, #tpu.memory_space<hbm>>
    tpu.enqueue_indirect_dma source(%dma_start3A_4 : memref<100000x128xf32, #tpu.memory_space<hbm>>) target(%arg9 : memref<400x128xf32, #tpu.memory_space<vmem>>) offsets(%arg6 : memref<400xi32, #tpu.memory_space<vmem>>) semaphore(%arg13 : memref<!tpu.dma_semaphore, #tpu.memory_space<semaphore_mem>>)
    %add3A_5 = arith.constant 400 : i32
    %add3A_6 = arith.addi %mul3A_2, %add3A_5 : i32
    %dma_start3A_7 = tpu.memref_slice %arg2[%add3A_6] : memref<204800xi32, #tpu.memory_space<hbm>> -> memref<400xi32, #tpu.memory_space<hbm>>
    %dma_start3A_8 = tpu.memref_slice %arg2[%add3A_6] : memref<204800xi32, #tpu.memory_space<hbm>> -> memref<400xi32, #tpu.memory_space<hbm>>
    tpu.enqueue_dma source(%dma_start3A_8 : memref<400xi32, #tpu.memory_space<hbm>>) target(%arg7 : memref<400xi32, #tpu.memory_space<vmem>>) target_semaphore(%arg12 : memref<!tpu.dma_semaphore, #tpu.memory_space<semaphore_mem>>)
    %scan3A = arith.constant 0 : i32
    %scan3A_9 = arith.constant 8 : i32
    %scan3A_10 = arith.addi %scan3A, %scan3A_9 : i32
    %scan3A_11 = arith.constant 1 : i32
    scf.for %scan3A_18 = %scan3A to %scan3A_10 step %scan3A_11  : i32 {
      %mul3A_19 = arith.constant 2 : i32
      %mul3A_20 = arith.muli %scan3A_18, %mul3A_19 : i32
      %add3A_21 = arith.constant 0 : i32
      %add3A_22 = arith.addi %add3A_21, %mul3A_20 : i32
      %add3A_23 = arith.constant 0 : i32
      %add3A_24 = arith.addi %add3A_22, %add3A_23 : i32
      %dma_wait3A_25 = arith.constant 0 : i32
      %dma_wait3A_26 = arith.constant 0 : i32
      %dma_wait3A_27 = tpu.memref_slice %arg4[%dma_wait3A_25, %dma_wait3A_26] : memref<100000x128xf32, #tpu.memory_space<hbm>> -> memref<100000x128xf32, #tpu.memory_space<hbm>>
      tpu.wait_indirect_dma semaphore(%arg13 : memref<!tpu.dma_semaphore, #tpu.memory_space<semaphore_mem>>) src(%dma_wait3A_27 : memref<100000x128xf32, #tpu.memory_space<hbm>>) dst(%arg9 : memref<400x128xf32, #tpu.memory_space<vmem>>)
      %ge3A = arith.constant 1 : i32
      %ge3A_28 = arith.cmpi sge, %add3A_24, %ge3A : i32
      %convert_element_type3A = arith.extui %ge3A_28 : i1 to i32
      %cond3A = arith.constant 0 : i32
      %cond3A_29 = arith.cmpi ne, %convert_element_type3A, %cond3A : i32
      scf.if %cond3A_29 {
        %sub3A = arith.constant 1 : i32
        %sub3A_91 = arith.subi %add3A_24, %sub3A : i32
        %mul3A_92 = arith.constant 400 : i32
        %mul3A_93 = arith.muli %sub3A_91, %mul3A_92 : i32
        %add3A_94 = arith.addi %mul3A_2, %mul3A_93 : i32
        %dma_wait3A_95 = arith.constant 0 : i32
        %dma_wait3A_96 = tpu.memref_slice %arg5[%add3A_94, %dma_wait3A_95] : memref<204800x128xf32, #tpu.memory_space<hbm>> -> memref<400x128xf32, #tpu.memory_space<hbm>>
        %dma_wait3A_97 = arith.constant 0 : i32
        %dma_wait3A_98 = tpu.memref_slice %arg5[%add3A_94, %dma_wait3A_97] : memref<204800x128xf32, #tpu.memory_space<hbm>> -> memref<400x128xf32, #tpu.memory_space<hbm>>
        tpu.wait_dma2 semaphore(%arg16 : memref<!tpu.dma_semaphore, #tpu.memory_space<semaphore_mem>>) src(%arg10 : memref<400x128xf32, #tpu.memory_space<vmem>>) dst(%dma_wait3A_98 : memref<400x128xf32, #tpu.memory_space<hbm>>)
      } else {
      }
      %scan3A_30 = arith.constant 0 : i32
      %scan3A_31 = arith.constant 200 : i32
      %scan3A_32 = arith.addi %scan3A_30, %scan3A_31 : i32
      %scan3A_33 = arith.constant 2 : i32
      scf.for %scan3A_91 = %scan3A_30 to %scan3A_32 step %scan3A_33  : i32 {
        %mul3A_92 = arith.constant 1 : i32
        %mul3A_93 = arith.muli %scan3A_91, %mul3A_92 : i32
        %add3A_94 = arith.constant 0 : i32
        %add3A_95 = arith.addi %add3A_94, %mul3A_93 : i32
        %get3A = arith.index_cast %add3A_95 : i32 to index
        %get3A_96 = arith.constant 0 : index
        %get3A_97 = tpu.vector_load %arg8[%get3A, %get3A_96] {strides = array<i32>} : memref<200x128xf32, #tpu.memory_space<vmem>>, vector<1x16xf32>,
        %get3A_98 = vector.shape_cast %get3A_97 : vector<1x16xf32> to vector<16xf32>
        %add3A_99 = arith.constant 0 : i32
        %add3A_100 = arith.addi %add3A_99, %add3A_95 : i32
        %swap3A = arith.index_cast %add3A_100 : i32 to index
        %swap3A_101 = arith.constant 0 : index
        %swap3A_102 = tpu.vector_load %arg9[%swap3A, %swap3A_101] {strides = array<i32>} : memref<400x128xf32, #tpu.memory_space<vmem>>, vector<1x16xf32>,
        %swap3A_103 = vector.shape_cast %swap3A_102 : vector<1x16xf32> to vector<16xf32>
        %swap3A_104 = vector.shape_cast %get3A_98 : vector<16xf32> to vector<1x16xf32>
        tpu.vector_store %arg9[%swap3A, %swap3A_101], %swap3A_104 {add = true, strides = array<i32>} : memref<400x128xf32, #tpu.memory_space<vmem>>, vector<1x16xf32>,
        %add3A_105 = arith.constant 200 : i32
        %add3A_106 = arith.addi %add3A_105, %add3A_95 : i32
        %swap3A_107 = arith.index_cast %add3A_106 : i32 to index
        %swap3A_108 = arith.constant 0 : index
        %swap3A_109 = tpu.vector_load %arg9[%swap3A_107, %swap3A_108] {strides = array<i32>} : memref<400x128xf32, #tpu.memory_space<vmem>>, vector<1x16xf32>,
        %swap3A_110 = vector.shape_cast %swap3A_109 : vector<1x16xf32> to vector<16xf32>
        %swap3A_111 = vector.shape_cast %get3A_98 : vector<16xf32> to vector<1x16xf32>
        tpu.vector_store %arg9[%swap3A_107, %swap3A_108], %swap3A_111 {add = true, strides = array<i32>} : memref<400x128xf32, #tpu.memory_space<vmem>>, vector<1x16xf32>,
        %get3A_112 = arith.index_cast %add3A_95 : i32 to index
        %get3A_113 = arith.constant 16 : index
        %get3A_114 = tpu.vector_load %arg8[%get3A_112, %get3A_113] {strides = array<i32>} : memref<200x128xf32, #tpu.memory_space<vmem>>, vector<1x16xf32>,
        %get3A_115 = vector.shape_cast %get3A_114 : vector<1x16xf32> to vector<16xf32>
        %add3A_116 = arith.constant 0 : i32
        %add3A_117 = arith.addi %add3A_116, %add3A_95 : i32
        %swap3A_118 = arith.index_cast %add3A_117 : i32 to index
        %swap3A_119 = arith.constant 16 : index
        %swap3A_120 = tpu.vector_load %arg9[%swap3A_118, %swap3A_119] {strides = array<i32>} : memref<400x128xf32, #tpu.memory_space<vmem>>, vector<1x16xf32>,
        %swap3A_121 = vector.shape_cast %swap3A_120 : vector<1x16xf32> to vector<16xf32>
        %swap3A_122 = vector.shape_cast %get3A_115 : vector<16xf32> to vector<1x16xf32>
        tpu.vector_store %arg9[%swap3A_118, %swap3A_119], %swap3A_122 {add = true, strides = array<i32>} : memref<400x128xf32, #tpu.memory_space<vmem>>, vector<1x16xf32>,
        %add3A_123 = arith.constant 200 : i32
        %add3A_124 = arith.addi %add3A_123, %add3A_95 : i32
        %swap3A_125 = arith.index_cast %add3A_124 : i32 to index
        %swap3A_126 = arith.constant 16 : index
        %swap3A_127 = tpu.vector_load %arg9[%swap3A_125, %swap3A_126] {strides = array<i32>} : memref<400x128xf32, #tpu.memory_space<vmem>>, vector<1x16xf32>,
        %swap3A_128 = vector.shape_cast %swap3A_127 : vector<1x16xf32> to vector<16xf32>
        %swap3A_129 = vector.shape_cast %get3A_115 : vector<16xf32> to vector<1x16xf32>
        tpu.vector_store %arg9[%swap3A_125, %swap3A_126], %swap3A_129 {add = true, strides = array<i32>} : memref<400x128xf32, #tpu.memory_space<vmem>>, vector<1x16xf32>,
        %get3A_130 = arith.index_cast %add3A_95 : i32 to index
        %get3A_131 = arith.constant 32 : index
        %get3A_132 = tpu.vector_load %arg8[%get3A_130, %get3A_131] {strides = array<i32>} : memref<200x128xf32, #tpu.memory_space<vmem>>, vector<1x16xf32>,
        %get3A_133 = vector.shape_cast %get3A_132 : vector<1x16xf32> to vector<16xf32>
        %add3A_134 = arith.constant 0 : i32
        %add3A_135 = arith.addi %add3A_134, %add3A_95 : i32
        %swap3A_136 = arith.index_cast %add3A_135 : i32 to index
        %swap3A_137 = arith.constant 32 : index
        %swap3A_138 = tpu.vector_load %arg9[%swap3A_136, %swap3A_137] {strides = array<i32>} : memref<400x128xf32, #tpu.memory_space<vmem>>, vector<1x16xf32>,
        %swap3A_139 = vector.shape_cast %swap3A_138 : vector<1x16xf32> to vector<16xf32>
        %swap3A_140 = vector.shape_cast %get3A_133 : vector<16xf32> to vector<1x16xf32>
        tpu.vector_store %arg9[%swap3A_136, %swap3A_137], %swap3A_140 {add = true, strides = array<i32>} : memref<400x128xf32, #tpu.memory_space<vmem>>, vector<1x16xf32>,
        %add3A_141 = arith.constant 200 : i32
        %add3A_142 = arith.addi %add3A_141, %add3A_95 : i32
        %swap3A_143 = arith.index_cast %add3A_142 : i32 to index
        %swap3A_144 = arith.constant 32 : index
        %swap3A_145 = tpu.vector_load %arg9[%swap3A_143, %swap3A_144] {strides = array<i32>} : memref<400x128xf32, #tpu.memory_space<vmem>>, vector<1x16xf32>,
        %swap3A_146 = vector.shape_cast %swap3A_145 : vector<1x16xf32> to vector<16xf32>
        %swap3A_147 = vector.shape_cast %get3A_133 : vector<16xf32> to vector<1x16xf32>
        tpu.vector_store %arg9[%swap3A_143, %swap3A_144], %swap3A_147 {add = true, strides = array<i32>} : memref<400x128xf32, #tpu.memory_space<vmem>>, vector<1x16xf32>,
        %get3A_148 = arith.index_cast %add3A_95 : i32 to index
        %get3A_149 = arith.constant 48 : index
        %get3A_150 = tpu.vector_load %arg8[%get3A_148, %get3A_149] {strides = array<i32>} : memref<200x128xf32, #tpu.memory_space<vmem>>, vector<1x16xf32>,
        %get3A_151 = vector.shape_cast %get3A_150 : vector<1x16xf32> to vector<16xf32>
        %add3A_152 = arith.constant 0 : i32
        %add3A_153 = arith.addi %add3A_152, %add3A_95 : i32
        %swap3A_154 = arith.index_cast %add3A_153 : i32 to index
        %swap3A_155 = arith.constant 48 : index
        %swap3A_156 = tpu.vector_load %arg9[%swap3A_154, %swap3A_155] {strides = array<i32>} : memref<400x128xf32, #tpu.memory_space<vmem>>, vector<1x16xf32>,
        %swap3A_157 = vector.shape_cast %swap3A_156 : vector<1x16xf32> to vector<16xf32>
        %swap3A_158 = vector.shape_cast %get3A_151 : vector<16xf32> to vector<1x16xf32>
        tpu.vector_store %arg9[%swap3A_154, %swap3A_155], %swap3A_158 {add = true, strides = array<i32>} : memref<400x128xf32, #tpu.memory_space<vmem>>, vector<1x16xf32>,
        %add3A_159 = arith.constant 200 : i32
        %add3A_160 = arith.addi %add3A_159, %add3A_95 : i32
        %swap3A_161 = arith.index_cast %add3A_160 : i32 to index
        %swap3A_162 = arith.constant 48 : index
        %swap3A_163 = tpu.vector_load %arg9[%swap3A_161, %swap3A_162] {strides = array<i32>} : memref<400x128xf32, #tpu.memory_space<vmem>>, vector<1x16xf32>,
        %swap3A_164 = vector.shape_cast %swap3A_163 : vector<1x16xf32> to vector<16xf32>
        %swap3A_165 = vector.shape_cast %get3A_151 : vector<16xf32> to vector<1x16xf32>
        tpu.vector_store %arg9[%swap3A_161, %swap3A_162], %swap3A_165 {add = true, strides = array<i32>} : memref<400x128xf32, #tpu.memory_space<vmem>>, vector<1x16xf32>,
        %get3A_166 = arith.index_cast %add3A_95 : i32 to index
        %get3A_167 = arith.constant 64 : index
        %get3A_168 = tpu.vector_load %arg8[%get3A_166, %get3A_167] {strides = array<i32>} : memref<200x128xf32, #tpu.memory_space<vmem>>, vector<1x16xf32>,
        %get3A_169 = vector.shape_cast %get3A_168 : vector<1x16xf32> to vector<16xf32>
        %add3A_170 = arith.constant 0 : i32
        %add3A_171 = arith.addi %add3A_170, %add3A_95 : i32
        %swap3A_172 = arith.index_cast %add3A_171 : i32 to index
        %swap3A_173 = arith.constant 64 : index
        %swap3A_174 = tpu.vector_load %arg9[%swap3A_172, %swap3A_173] {strides = array<i32>} : memref<400x128xf32, #tpu.memory_space<vmem>>, vector<1x16xf32>,
        %swap3A_175 = vector.shape_cast %swap3A_174 : vector<1x16xf32> to vector<16xf32>
        %swap3A_176 = vector.shape_cast %get3A_169 : vector<16xf32> to vector<1x16xf32>
        tpu.vector_store %arg9[%swap3A_172, %swap3A_173], %swap3A_176 {add = true, strides = array<i32>} : memref<400x128xf32, #tpu.memory_space<vmem>>, vector<1x16xf32>,
        %add3A_177 = arith.constant 200 : i32
        %add3A_178 = arith.addi %add3A_177, %add3A_95 : i32
        %swap3A_179 = arith.index_cast %add3A_178 : i32 to index
        %swap3A_180 = arith.constant 64 : index
        %swap3A_181 = tpu.vector_load %arg9[%swap3A_179, %swap3A_180] {strides = array<i32>} : memref<400x128xf32, #tpu.memory_space<vmem>>, vector<1x16xf32>,
        %swap3A_182 = vector.shape_cast %swap3A_181 : vector<1x16xf32> to vector<16xf32>
        %swap3A_183 = vector.shape_cast %get3A_169 : vector<16xf32> to vector<1x16xf32>
        tpu.vector_store %arg9[%swap3A_179, %swap3A_180], %swap3A_183 {add = true, strides = array<i32>} : memref<400x128xf32, #tpu.memory_space<vmem>>, vector<1x16xf32>,
        %get3A_184 = arith.index_cast %add3A_95 : i32 to index
        %get3A_185 = arith.constant 80 : index
        %get3A_186 = tpu.vector_load %arg8[%get3A_184, %get3A_185] {strides = array<i32>} : memref<200x128xf32, #tpu.memory_space<vmem>>, vector<1x16xf32>,
        %get3A_187 = vector.shape_cast %get3A_186 : vector<1x16xf32> to vector<16xf32>
        %add3A_188 = arith.constant 0 : i32
        %add3A_189 = arith.addi %add3A_188, %add3A_95 : i32
        %swap3A_190 = arith.index_cast %add3A_189 : i32 to index
        %swap3A_191 = arith.constant 80 : index
        %swap3A_192 = tpu.vector_load %arg9[%swap3A_190, %swap3A_191] {strides = array<i32>} : memref<400x128xf32, #tpu.memory_space<vmem>>, vector<1x16xf32>,
        %swap3A_193 = vector.shape_cast %swap3A_192 : vector<1x16xf32> to vector<16xf32>
        %swap3A_194 = vector.shape_cast %get3A_187 : vector<16xf32> to vector<1x16xf32>
        tpu.vector_store %arg9[%swap3A_190, %swap3A_191], %swap3A_194 {add = true, strides = array<i32>} : memref<400x128xf32, #tpu.memory_space<vmem>>, vector<1x16xf32>,
        %add3A_195 = arith.constant 200 : i32
        %add3A_196 = arith.addi %add3A_195, %add3A_95 : i32
        %swap3A_197 = arith.index_cast %add3A_196 : i32 to index
        %swap3A_198 = arith.constant 80 : index
        %swap3A_199 = tpu.vector_load %arg9[%swap3A_197, %swap3A_198] {strides = array<i32>} : memref<400x128xf32, #tpu.memory_space<vmem>>, vector<1x16xf32>,
        %swap3A_200 = vector.shape_cast %swap3A_199 : vector<1x16xf32> to vector<16xf32>
        %swap3A_201 = vector.shape_cast %get3A_187 : vector<16xf32> to vector<1x16xf32>
        tpu.vector_store %arg9[%swap3A_197, %swap3A_198], %swap3A_201 {add = true, strides = array<i32>} : memref<400x128xf32, #tpu.memory_space<vmem>>, vector<1x16xf32>,
        %get3A_202 = arith.index_cast %add3A_95 : i32 to index
        %get3A_203 = arith.constant 96 : index
        %get3A_204 = tpu.vector_load %arg8[%get3A_202, %get3A_203] {strides = array<i32>} : memref<200x128xf32, #tpu.memory_space<vmem>>, vector<1x16xf32>,
        %get3A_205 = vector.shape_cast %get3A_204 : vector<1x16xf32> to vector<16xf32>
        %add3A_206 = arith.constant 0 : i32
        %add3A_207 = arith.addi %add3A_206, %add3A_95 : i32
        %swap3A_208 = arith.index_cast %add3A_207 : i32 to index
        %swap3A_209 = arith.constant 96 : index
        %swap3A_210 = tpu.vector_load %arg9[%swap3A_208, %swap3A_209] {strides = array<i32>} : memref<400x128xf32, #tpu.memory_space<vmem>>, vector<1x16xf32>,
        %swap3A_211 = vector.shape_cast %swap3A_210 : vector<1x16xf32> to vector<16xf32>
        %swap3A_212 = vector.shape_cast %get3A_205 : vector<16xf32> to vector<1x16xf32>
        tpu.vector_store %arg9[%swap3A_208, %swap3A_209], %swap3A_212 {add = true, strides = array<i32>} : memref<400x128xf32, #tpu.memory_space<vmem>>, vector<1x16xf32>,
        %add3A_213 = arith.constant 200 : i32
        %add3A_214 = arith.addi %add3A_213, %add3A_95 : i32
        %swap3A_215 = arith.index_cast %add3A_214 : i32 to index
        %swap3A_216 = arith.constant 96 : index
        %swap3A_217 = tpu.vector_load %arg9[%swap3A_215, %swap3A_216] {strides = array<i32>} : memref<400x128xf32, #tpu.memory_space<vmem>>, vector<1x16xf32>,
        %swap3A_218 = vector.shape_cast %swap3A_217 : vector<1x16xf32> to vector<16xf32>
        %swap3A_219 = vector.shape_cast %get3A_205 : vector<16xf32> to vector<1x16xf32>
        tpu.vector_store %arg9[%swap3A_215, %swap3A_216], %swap3A_219 {add = true, strides = array<i32>} : memref<400x128xf32, #tpu.memory_space<vmem>>, vector<1x16xf32>,
        %get3A_220 = arith.index_cast %add3A_95 : i32 to index
        %get3A_221 = arith.constant 112 : index
        %get3A_222 = tpu.vector_load %arg8[%get3A_220, %get3A_221] {strides = array<i32>} : memref<200x128xf32, #tpu.memory_space<vmem>>, vector<1x16xf32>,
        %get3A_223 = vector.shape_cast %get3A_222 : vector<1x16xf32> to vector<16xf32>
        %add3A_224 = arith.constant 0 : i32
        %add3A_225 = arith.addi %add3A_224, %add3A_95 : i32
        %swap3A_226 = arith.index_cast %add3A_225 : i32 to index
        %swap3A_227 = arith.constant 112 : index
        %swap3A_228 = tpu.vector_load %arg9[%swap3A_226, %swap3A_227] {strides = array<i32>} : memref<400x128xf32, #tpu.memory_space<vmem>>, vector<1x16xf32>,
        %swap3A_229 = vector.shape_cast %swap3A_228 : vector<1x16xf32> to vector<16xf32>
        %swap3A_230 = vector.shape_cast %get3A_223 : vector<16xf32> to vector<1x16xf32>
        tpu.vector_store %arg9[%swap3A_226, %swap3A_227], %swap3A_230 {add = true, strides = array<i32>} : memref<400x128xf32, #tpu.memory_space<vmem>>, vector<1x16xf32>,
        %add3A_231 = arith.constant 200 : i32
        %add3A_232 = arith.addi %add3A_231, %add3A_95 : i32
        %swap3A_233 = arith.index_cast %add3A_232 : i32 to index
        %swap3A_234 = arith.constant 112 : index
        %swap3A_235 = tpu.vector_load %arg9[%swap3A_233, %swap3A_234] {strides = array<i32>} : memref<400x128xf32, #tpu.memory_space<vmem>>, vector<1x16xf32>,
        %swap3A_236 = vector.shape_cast %swap3A_235 : vector<1x16xf32> to vector<16xf32>
        %swap3A_237 = vector.shape_cast %get3A_223 : vector<16xf32> to vector<1x16xf32>
        tpu.vector_store %arg9[%swap3A_233, %swap3A_234], %swap3A_237 {add = true, strides = array<i32>} : memref<400x128xf32, #tpu.memory_space<vmem>>, vector<1x16xf32>,
        %scan3A_238 = arith.constant 1 : i32
        %scan3A_239 = arith.addi %scan3A_91, %scan3A_238 : i32
        %mul3A_240 = arith.constant 1 : i32
        %mul3A_241 = arith.muli %scan3A_239, %mul3A_240 : i32
        %add3A_242 = arith.constant 0 : i32
        %add3A_243 = arith.addi %add3A_242, %mul3A_241 : i32
        %get3A_244 = arith.index_cast %add3A_243 : i32 to index
        %get3A_245 = arith.constant 0 : index
        %get3A_246 = tpu.vector_load %arg8[%get3A_244, %get3A_245] {strides = array<i32>} : memref<200x128xf32, #tpu.memory_space<vmem>>, vector<1x16xf32>,
        %get3A_247 = vector.shape_cast %get3A_246 : vector<1x16xf32> to vector<16xf32>
        %add3A_248 = arith.constant 0 : i32
        %add3A_249 = arith.addi %add3A_248, %add3A_243 : i32
        %swap3A_250 = arith.index_cast %add3A_249 : i32 to index
        %swap3A_251 = arith.constant 0 : index
        %swap3A_252 = tpu.vector_load %arg9[%swap3A_250, %swap3A_251] {strides = array<i32>} : memref<400x128xf32, #tpu.memory_space<vmem>>, vector<1x16xf32>,
        %swap3A_253 = vector.shape_cast %swap3A_252 : vector<1x16xf32> to vector<16xf32>
        %swap3A_254 = vector.shape_cast %get3A_247 : vector<16xf32> to vector<1x16xf32>
        tpu.vector_store %arg9[%swap3A_250, %swap3A_251], %swap3A_254 {add = true, strides = array<i32>} : memref<400x128xf32, #tpu.memory_space<vmem>>, vector<1x16xf32>,
        %add3A_255 = arith.constant 200 : i32
        %add3A_256 = arith.addi %add3A_255, %add3A_243 : i32
        %swap3A_257 = arith.index_cast %add3A_256 : i32 to index
        %swap3A_258 = arith.constant 0 : index
        %swap3A_259 = tpu.vector_load %arg9[%swap3A_257, %swap3A_258] {strides = array<i32>} : memref<400x128xf32, #tpu.memory_space<vmem>>, vector<1x16xf32>,
        %swap3A_260 = vector.shape_cast %swap3A_259 : vector<1x16xf32> to vector<16xf32>
        %swap3A_261 = vector.shape_cast %get3A_247 : vector<16xf32> to vector<1x16xf32>
        tpu.vector_store %arg9[%swap3A_257, %swap3A_258], %swap3A_261 {add = true, strides = array<i32>} : memref<400x128xf32, #tpu.memory_space<vmem>>, vector<1x16xf32>,
        %get3A_262 = arith.index_cast %add3A_243 : i32 to index
        %get3A_263 = arith.constant 16 : index
        %get3A_264 = tpu.vector_load %arg8[%get3A_262, %get3A_263] {strides = array<i32>} : memref<200x128xf32, #tpu.memory_space<vmem>>, vector<1x16xf32>,
        %get3A_265 = vector.shape_cast %get3A_264 : vector<1x16xf32> to vector<16xf32>
        %add3A_266 = arith.constant 0 : i32
        %add3A_267 = arith.addi %add3A_266, %add3A_243 : i32
        %swap3A_268 = arith.index_cast %add3A_267 : i32 to index
        %swap3A_269 = arith.constant 16 : index
        %swap3A_270 = tpu.vector_load %arg9[%swap3A_268, %swap3A_269] {strides = array<i32>} : memref<400x128xf32, #tpu.memory_space<vmem>>, vector<1x16xf32>,
        %swap3A_271 = vector.shape_cast %swap3A_270 : vector<1x16xf32> to vector<16xf32>
        %swap3A_272 = vector.shape_cast %get3A_265 : vector<16xf32> to vector<1x16xf32>
        tpu.vector_store %arg9[%swap3A_268, %swap3A_269], %swap3A_272 {add = true, strides = array<i32>} : memref<400x128xf32, #tpu.memory_space<vmem>>, vector<1x16xf32>,
        %add3A_273 = arith.constant 200 : i32
        %add3A_274 = arith.addi %add3A_273, %add3A_243 : i32
        %swap3A_275 = arith.index_cast %add3A_274 : i32 to index
        %swap3A_276 = arith.constant 16 : index
        %swap3A_277 = tpu.vector_load %arg9[%swap3A_275, %swap3A_276] {strides = array<i32>} : memref<400x128xf32, #tpu.memory_space<vmem>>, vector<1x16xf32>,
        %swap3A_278 = vector.shape_cast %swap3A_277 : vector<1x16xf32> to vector<16xf32>
        %swap3A_279 = vector.shape_cast %get3A_265 : vector<16xf32> to vector<1x16xf32>
        tpu.vector_store %arg9[%swap3A_275, %swap3A_276], %swap3A_279 {add = true, strides = array<i32>} : memref<400x128xf32, #tpu.memory_space<vmem>>, vector<1x16xf32>,
        %get3A_280 = arith.index_cast %add3A_243 : i32 to index
        %get3A_281 = arith.constant 32 : index
        %get3A_282 = tpu.vector_load %arg8[%get3A_280, %get3A_281] {strides = array<i32>} : memref<200x128xf32, #tpu.memory_space<vmem>>, vector<1x16xf32>,
        %get3A_283 = vector.shape_cast %get3A_282 : vector<1x16xf32> to vector<16xf32>
        %add3A_284 = arith.constant 0 : i32
        %add3A_285 = arith.addi %add3A_284, %add3A_243 : i32
        %swap3A_286 = arith.index_cast %add3A_285 : i32 to index
        %swap3A_287 = arith.constant 32 : index
        %swap3A_288 = tpu.vector_load %arg9[%swap3A_286, %swap3A_287] {strides = array<i32>} : memref<400x128xf32, #tpu.memory_space<vmem>>, vector<1x16xf32>,
        %swap3A_289 = vector.shape_cast %swap3A_288 : vector<1x16xf32> to vector<16xf32>
        %swap3A_290 = vector.shape_cast %get3A_283 : vector<16xf32> to vector<1x16xf32>
        tpu.vector_store %arg9[%swap3A_286, %swap3A_287], %swap3A_290 {add = true, strides = array<i32>} : memref<400x128xf32, #tpu.memory_space<vmem>>, vector<1x16xf32>,
        %add3A_291 = arith.constant 200 : i32
        %add3A_292 = arith.addi %add3A_291, %add3A_243 : i32
        %swap3A_293 = arith.index_cast %add3A_292 : i32 to index
        %swap3A_294 = arith.constant 32 : index
        %swap3A_295 = tpu.vector_load %arg9[%swap3A_293, %swap3A_294] {strides = array<i32>} : memref<400x128xf32, #tpu.memory_space<vmem>>, vector<1x16xf32>,
        %swap3A_296 = vector.shape_cast %swap3A_295 : vector<1x16xf32> to vector<16xf32>
        %swap3A_297 = vector.shape_cast %get3A_283 : vector<16xf32> to vector<1x16xf32>
        tpu.vector_store %arg9[%swap3A_293, %swap3A_294], %swap3A_297 {add = true, strides = array<i32>} : memref<400x128xf32, #tpu.memory_space<vmem>>, vector<1x16xf32>,
        %get3A_298 = arith.index_cast %add3A_243 : i32 to index
        %get3A_299 = arith.constant 48 : index
        %get3A_300 = tpu.vector_load %arg8[%get3A_298, %get3A_299] {strides = array<i32>} : memref<200x128xf32, #tpu.memory_space<vmem>>, vector<1x16xf32>,
        %get3A_301 = vector.shape_cast %get3A_300 : vector<1x16xf32> to vector<16xf32>
        %add3A_302 = arith.constant 0 : i32
        %add3A_303 = arith.addi %add3A_302, %add3A_243 : i32
        %swap3A_304 = arith.index_cast %add3A_303 : i32 to index
        %swap3A_305 = arith.constant 48 : index
        %swap3A_306 = tpu.vector_load %arg9[%swap3A_304, %swap3A_305] {strides = array<i32>} : memref<400x128xf32, #tpu.memory_space<vmem>>, vector<1x16xf32>,
        %swap3A_307 = vector.shape_cast %swap3A_306 : vector<1x16xf32> to vector<16xf32>
        %swap3A_308 = vector.shape_cast %get3A_301 : vector<16xf32> to vector<1x16xf32>
        tpu.vector_store %arg9[%swap3A_304, %swap3A_305], %swap3A_308 {add = true, strides = array<i32>} : memref<400x128xf32, #tpu.memory_space<vmem>>, vector<1x16xf32>,
        %add3A_309 = arith.constant 200 : i32
        %add3A_310 = arith.addi %add3A_309, %add3A_243 : i32
        %swap3A_311 = arith.index_cast %add3A_310 : i32 to index
        %swap3A_312 = arith.constant 48 : index
        %swap3A_313 = tpu.vector_load %arg9[%swap3A_311, %swap3A_312] {strides = array<i32>} : memref<400x128xf32, #tpu.memory_space<vmem>>, vector<1x16xf32>,
        %swap3A_314 = vector.shape_cast %swap3A_313 : vector<1x16xf32> to vector<16xf32>
        %swap3A_315 = vector.shape_cast %get3A_301 : vector<16xf32> to vector<1x16xf32>
        tpu.vector_store %arg9[%swap3A_311, %swap3A_312], %swap3A_315 {add = true, strides = array<i32>} : memref<400x128xf32, #tpu.memory_space<vmem>>, vector<1x16xf32>,
        %get3A_316 = arith.index_cast %add3A_243 : i32 to index
        %get3A_317 = arith.constant 64 : index
        %get3A_318 = tpu.vector_load %arg8[%get3A_316, %get3A_317] {strides = array<i32>} : memref<200x128xf32, #tpu.memory_space<vmem>>, vector<1x16xf32>,
        %get3A_319 = vector.shape_cast %get3A_318 : vector<1x16xf32> to vector<16xf32>
        %add3A_320 = arith.constant 0 : i32
        %add3A_321 = arith.addi %add3A_320, %add3A_243 : i32
        %swap3A_322 = arith.index_cast %add3A_321 : i32 to index
        %swap3A_323 = arith.constant 64 : index
        %swap3A_324 = tpu.vector_load %arg9[%swap3A_322, %swap3A_323] {strides = array<i32>} : memref<400x128xf32, #tpu.memory_space<vmem>>, vector<1x16xf32>,
        %swap3A_325 = vector.shape_cast %swap3A_324 : vector<1x16xf32> to vector<16xf32>
        %swap3A_326 = vector.shape_cast %get3A_319 : vector<16xf32> to vector<1x16xf32>
        tpu.vector_store %arg9[%swap3A_322, %swap3A_323], %swap3A_326 {add = true, strides = array<i32>} : memref<400x128xf32, #tpu.memory_space<vmem>>, vector<1x16xf32>,
        %add3A_327 = arith.constant 200 : i32
        %add3A_328 = arith.addi %add3A_327, %add3A_243 : i32
        %swap3A_329 = arith.index_cast %add3A_328 : i32 to index
        %swap3A_330 = arith.constant 64 : index
        %swap3A_331 = tpu.vector_load %arg9[%swap3A_329, %swap3A_330] {strides = array<i32>} : memref<400x128xf32, #tpu.memory_space<vmem>>, vector<1x16xf32>,
        %swap3A_332 = vector.shape_cast %swap3A_331 : vector<1x16xf32> to vector<16xf32>
        %swap3A_333 = vector.shape_cast %get3A_319 : vector<16xf32> to vector<1x16xf32>
        tpu.vector_store %arg9[%swap3A_329, %swap3A_330], %swap3A_333 {add = true, strides = array<i32>} : memref<400x128xf32, #tpu.memory_space<vmem>>, vector<1x16xf32>,
        %get3A_334 = arith.index_cast %add3A_243 : i32 to index
        %get3A_335 = arith.constant 80 : index
        %get3A_336 = tpu.vector_load %arg8[%get3A_334, %get3A_335] {strides = array<i32>} : memref<200x128xf32, #tpu.memory_space<vmem>>, vector<1x16xf32>,
        %get3A_337 = vector.shape_cast %get3A_336 : vector<1x16xf32> to vector<16xf32>
        %add3A_338 = arith.constant 0 : i32
        %add3A_339 = arith.addi %add3A_338, %add3A_243 : i32
        %swap3A_340 = arith.index_cast %add3A_339 : i32 to index
        %swap3A_341 = arith.constant 80 : index
        %swap3A_342 = tpu.vector_load %arg9[%swap3A_340, %swap3A_341] {strides = array<i32>} : memref<400x128xf32, #tpu.memory_space<vmem>>, vector<1x16xf32>,
        %swap3A_343 = vector.shape_cast %swap3A_342 : vector<1x16xf32> to vector<16xf32>
        %swap3A_344 = vector.shape_cast %get3A_337 : vector<16xf32> to vector<1x16xf32>
        tpu.vector_store %arg9[%swap3A_340, %swap3A_341], %swap3A_344 {add = true, strides = array<i32>} : memref<400x128xf32, #tpu.memory_space<vmem>>, vector<1x16xf32>,
        %add3A_345 = arith.constant 200 : i32
        %add3A_346 = arith.addi %add3A_345, %add3A_243 : i32
        %swap3A_347 = arith.index_cast %add3A_346 : i32 to index
        %swap3A_348 = arith.constant 80 : index
        %swap3A_349 = tpu.vector_load %arg9[%swap3A_347, %swap3A_348] {strides = array<i32>} : memref<400x128xf32, #tpu.memory_space<vmem>>, vector<1x16xf32>,
        %swap3A_350 = vector.shape_cast %swap3A_349 : vector<1x16xf32> to vector<16xf32>
        %swap3A_351 = vector.shape_cast %get3A_337 : vector<16xf32> to vector<1x16xf32>
        tpu.vector_store %arg9[%swap3A_347, %swap3A_348], %swap3A_351 {add = true, strides = array<i32>} : memref<400x128xf32, #tpu.memory_space<vmem>>, vector<1x16xf32>,
        %get3A_352 = arith.index_cast %add3A_243 : i32 to index
        %get3A_353 = arith.constant 96 : index
        %get3A_354 = tpu.vector_load %arg8[%get3A_352, %get3A_353] {strides = array<i32>} : memref<200x128xf32, #tpu.memory_space<vmem>>, vector<1x16xf32>,
        %get3A_355 = vector.shape_cast %get3A_354 : vector<1x16xf32> to vector<16xf32>
        %add3A_356 = arith.constant 0 : i32
        %add3A_357 = arith.addi %add3A_356, %add3A_243 : i32
        %swap3A_358 = arith.index_cast %add3A_357 : i32 to index
        %swap3A_359 = arith.constant 96 : index
        %swap3A_360 = tpu.vector_load %arg9[%swap3A_358, %swap3A_359] {strides = array<i32>} : memref<400x128xf32, #tpu.memory_space<vmem>>, vector<1x16xf32>,
        %swap3A_361 = vector.shape_cast %swap3A_360 : vector<1x16xf32> to vector<16xf32>
        %swap3A_362 = vector.shape_cast %get3A_355 : vector<16xf32> to vector<1x16xf32>
        tpu.vector_store %arg9[%swap3A_358, %swap3A_359], %swap3A_362 {add = true, strides = array<i32>} : memref<400x128xf32, #tpu.memory_space<vmem>>, vector<1x16xf32>,
        %add3A_363 = arith.constant 200 : i32
        %add3A_364 = arith.addi %add3A_363, %add3A_243 : i32
        %swap3A_365 = arith.index_cast %add3A_364 : i32 to index
        %swap3A_366 = arith.constant 96 : index
        %swap3A_367 = tpu.vector_load %arg9[%swap3A_365, %swap3A_366] {strides = array<i32>} : memref<400x128xf32, #tpu.memory_space<vmem>>, vector<1x16xf32>,
        %swap3A_368 = vector.shape_cast %swap3A_367 : vector<1x16xf32> to vector<16xf32>
        %swap3A_369 = vector.shape_cast %get3A_355 : vector<16xf32> to vector<1x16xf32>
        tpu.vector_store %arg9[%swap3A_365, %swap3A_366], %swap3A_369 {add = true, strides = array<i32>} : memref<400x128xf32, #tpu.memory_space<vmem>>, vector<1x16xf32>,
        %get3A_370 = arith.index_cast %add3A_243 : i32 to index
        %get3A_371 = arith.constant 112 : index
        %get3A_372 = tpu.vector_load %arg8[%get3A_370, %get3A_371] {strides = array<i32>} : memref<200x128xf32, #tpu.memory_space<vmem>>, vector<1x16xf32>,
        %get3A_373 = vector.shape_cast %get3A_372 : vector<1x16xf32> to vector<16xf32>
        %add3A_374 = arith.constant 0 : i32
        %add3A_375 = arith.addi %add3A_374, %add3A_243 : i32
        %swap3A_376 = arith.index_cast %add3A_375 : i32 to index
        %swap3A_377 = arith.constant 112 : index
        %swap3A_378 = tpu.vector_load %arg9[%swap3A_376, %swap3A_377] {strides = array<i32>} : memref<400x128xf32, #tpu.memory_space<vmem>>, vector<1x16xf32>,
        %swap3A_379 = vector.shape_cast %swap3A_378 : vector<1x16xf32> to vector<16xf32>
        %swap3A_380 = vector.shape_cast %get3A_373 : vector<16xf32> to vector<1x16xf32>
        tpu.vector_store %arg9[%swap3A_376, %swap3A_377], %swap3A_380 {add = true, strides = array<i32>} : memref<400x128xf32, #tpu.memory_space<vmem>>, vector<1x16xf32>,
        %add3A_381 = arith.constant 200 : i32
        %add3A_382 = arith.addi %add3A_381, %add3A_243 : i32
        %swap3A_383 = arith.index_cast %add3A_382 : i32 to index
        %swap3A_384 = arith.constant 112 : index
        %swap3A_385 = tpu.vector_load %arg9[%swap3A_383, %swap3A_384] {strides = array<i32>} : memref<400x128xf32, #tpu.memory_space<vmem>>, vector<1x16xf32>,
        %swap3A_386 = vector.shape_cast %swap3A_385 : vector<1x16xf32> to vector<16xf32>
        %swap3A_387 = vector.shape_cast %get3A_373 : vector<16xf32> to vector<1x16xf32>
        tpu.vector_store %arg9[%swap3A_383, %swap3A_384], %swap3A_387 {add = true, strides = array<i32>} : memref<400x128xf32, #tpu.memory_space<vmem>>, vector<1x16xf32>,
      }
      %scan3A_34 = arith.constant 200 : i32
      %mul3A_35 = arith.constant 400 : i32
      %mul3A_36 = arith.muli %add3A_24, %mul3A_35 : i32
      %add3A_37 = arith.addi %mul3A_2, %mul3A_36 : i32
      %dma_start3A_38 = arith.constant 0 : i32
      %dma_start3A_39 = tpu.memref_slice %arg5[%add3A_37, %dma_start3A_38] : memref<204800x128xf32, #tpu.memory_space<hbm>> -> memref<400x128xf32, #tpu.memory_space<hbm>>
      %dma_start3A_40 = arith.constant 0 : i32
      %dma_start3A_41 = tpu.memref_slice %arg5[%add3A_37, %dma_start3A_40] : memref<204800x128xf32, #tpu.memory_space<hbm>> -> memref<400x128xf32, #tpu.memory_space<hbm>>
      tpu.enqueue_dma source(%arg9 : memref<400x128xf32, #tpu.memory_space<vmem>>) target(%dma_start3A_41 : memref<400x128xf32, #tpu.memory_space<hbm>>) target_semaphore(%arg15 : memref<!tpu.dma_semaphore, #tpu.memory_space<semaphore_mem>>)
      %add3A_42 = arith.constant 1 : i32
      %add3A_43 = arith.addi %add3A_24, %add3A_42 : i32
      %lt3A = arith.constant 16 : i32
      %lt3A_44 = arith.cmpi slt, %add3A_43, %lt3A : i32
      %convert_element_type3A_45 = arith.extui %lt3A_44 : i1 to i32
      %cond3A_46 = arith.constant 0 : i32
      %cond3A_47 = arith.cmpi ne, %convert_element_type3A_45, %cond3A_46 : i32
      scf.if %cond3A_47 {
        %add3A_91 = arith.constant 1 : i32
        %add3A_92 = arith.addi %add3A_24, %add3A_91 : i32
        %mul3A_93 = arith.constant 400 : i32
        %mul3A_94 = arith.muli %add3A_92, %mul3A_93 : i32
        %add3A_95 = arith.addi %mul3A_2, %mul3A_94 : i32
        %dma_wait3A_96 = tpu.memref_slice %arg2[%add3A_95] : memref<204800xi32, #tpu.memory_space<hbm>> -> memref<400xi32, #tpu.memory_space<hbm>>
        %dma_wait3A_97 = tpu.memref_slice %arg2[%add3A_95] : memref<204800xi32, #tpu.memory_space<hbm>> -> memref<400xi32, #tpu.memory_space<hbm>>
        tpu.wait_dma2 semaphore(%arg12 : memref<!tpu.dma_semaphore, #tpu.memory_space<semaphore_mem>>) src(%dma_wait3A_97 : memref<400xi32, #tpu.memory_space<hbm>>) dst(%arg7 : memref<400xi32, #tpu.memory_space<vmem>>)
        %dma_start3A_98 = arith.constant 0 : i32
        %dma_start3A_99 = arith.constant 0 : i32
        %dma_start3A_100 = tpu.memref_slice %arg4[%dma_start3A_98, %dma_start3A_99] : memref<100000x128xf32, #tpu.memory_space<hbm>> -> memref<100000x128xf32, #tpu.memory_space<hbm>>
        tpu.enqueue_indirect_dma source(%dma_start3A_100 : memref<100000x128xf32, #tpu.memory_space<hbm>>) target(%arg10 : memref<400x128xf32, #tpu.memory_space<vmem>>) offsets(%arg7 : memref<400xi32, #tpu.memory_space<vmem>>) semaphore(%arg14 : memref<!tpu.dma_semaphore, #tpu.memory_space<semaphore_mem>>)
      } else {
      }
      %add3A_48 = arith.constant 2 : i32
      %add3A_49 = arith.addi %add3A_24, %add3A_48 : i32
      %lt3A_50 = arith.constant 16 : i32
      %lt3A_51 = arith.cmpi slt, %add3A_49, %lt3A_50 : i32
      %convert_element_type3A_52 = arith.extui %lt3A_51 : i1 to i32
      %cond3A_53 = arith.constant 0 : i32
      %cond3A_54 = arith.cmpi ne, %convert_element_type3A_52, %cond3A_53 : i32
      scf.if %cond3A_54 {
        %add3A_91 = arith.constant 2 : i32
        %add3A_92 = arith.addi %add3A_24, %add3A_91 : i32
        %mul3A_93 = arith.constant 400 : i32
        %mul3A_94 = arith.muli %add3A_92, %mul3A_93 : i32
        %add3A_95 = arith.addi %mul3A_2, %mul3A_94 : i32
        %dma_start3A_96 = tpu.memref_slice %arg2[%add3A_95] : memref<204800xi32, #tpu.memory_space<hbm>> -> memref<400xi32, #tpu.memory_space<hbm>>
        %dma_start3A_97 = tpu.memref_slice %arg2[%add3A_95] : memref<204800xi32, #tpu.memory_space<hbm>> -> memref<400xi32, #tpu.memory_space<hbm>>
        tpu.enqueue_dma source(%dma_start3A_97 : memref<400xi32, #tpu.memory_space<hbm>>) target(%arg6 : memref<400xi32, #tpu.memory_space<vmem>>) target_semaphore(%arg11 : memref<!tpu.dma_semaphore, #tpu.memory_space<semaphore_mem>>)
      } else {
      }
      %add3A_55 = arith.constant 1 : i32
      %add3A_56 = arith.addi %add3A_22, %add3A_55 : i32
      %dma_wait3A_57 = arith.constant 0 : i32
      %dma_wait3A_58 = arith.constant 0 : i32
      %dma_wait3A_59 = tpu.memref_slice %arg4[%dma_wait3A_57, %dma_wait3A_58] : memref<100000x128xf32, #tpu.memory_space<hbm>> -> memref<100000x128xf32, #tpu.memory_space<hbm>>
      tpu.wait_indirect_dma semaphore(%arg14 : memref<!tpu.dma_semaphore, #tpu.memory_space<semaphore_mem>>) src(%dma_wait3A_59 : memref<100000x128xf32, #tpu.memory_space<hbm>>) dst(%arg10 : memref<400x128xf32, #tpu.memory_space<vmem>>)
      %ge3A_60 = arith.constant 1 : i32
      %ge3A_61 = arith.cmpi sge, %add3A_56, %ge3A_60 : i32
      %convert_element_type3A_62 = arith.extui %ge3A_61 : i1 to i32
      %cond3A_63 = arith.constant 0 : i32
      %cond3A_64 = arith.cmpi ne, %convert_element_type3A_62, %cond3A_63 : i32
      scf.if %cond3A_64 {
        %sub3A = arith.constant 1 : i32
        %sub3A_91 = arith.subi %add3A_56, %sub3A : i32
        %mul3A_92 = arith.constant 400 : i32
        %mul3A_93 = arith.muli %sub3A_91, %mul3A_92 : i32
        %add3A_94 = arith.addi %mul3A_2, %mul3A_93 : i32
        %dma_wait3A_95 = arith.constant 0 : i32
        %dma_wait3A_96 = tpu.memref_slice %arg5[%add3A_94, %dma_wait3A_95] : memref<204800x128xf32, #tpu.memory_space<hbm>> -> memref<400x128xf32, #tpu.memory_space<hbm>>
        %dma_wait3A_97 = arith.constant 0 : i32
        %dma_wait3A_98 = tpu.memref_slice %arg5[%add3A_94, %dma_wait3A_97] : memref<204800x128xf32, #tpu.memory_space<hbm>> -> memref<400x128xf32, #tpu.memory_space<hbm>>
        tpu.wait_dma2 semaphore(%arg15 : memref<!tpu.dma_semaphore, #tpu.memory_space<semaphore_mem>>) src(%arg9 : memref<400x128xf32, #tpu.memory_space<vmem>>) dst(%dma_wait3A_98 : memref<400x128xf32, #tpu.memory_space<hbm>>)
      } else {
      }
      %scan3A_65 = arith.constant 0 : i32
      %scan3A_66 = arith.constant 200 : i32
      %scan3A_67 = arith.addi %scan3A_65, %scan3A_66 : i32
      %scan3A_68 = arith.constant 2 : i32
      scf.for %scan3A_91 = %scan3A_65 to %scan3A_67 step %scan3A_68  : i32 {
        %mul3A_92 = arith.constant 1 : i32
        %mul3A_93 = arith.muli %scan3A_91, %mul3A_92 : i32
        %add3A_94 = arith.constant 0 : i32
        %add3A_95 = arith.addi %add3A_94, %mul3A_93 : i32
        %get3A = arith.index_cast %add3A_95 : i32 to index
        %get3A_96 = arith.constant 0 : index
        %get3A_97 = tpu.vector_load %arg8[%get3A, %get3A_96] {strides = array<i32>} : memref<200x128xf32, #tpu.memory_space<vmem>>, vector<1x16xf32>,
        %get3A_98 = vector.shape_cast %get3A_97 : vector<1x16xf32> to vector<16xf32>
        %add3A_99 = arith.constant 0 : i32
        %add3A_100 = arith.addi %add3A_99, %add3A_95 : i32
        %swap3A = arith.index_cast %add3A_100 : i32 to index
        %swap3A_101 = arith.constant 0 : index
        %swap3A_102 = tpu.vector_load %arg10[%swap3A, %swap3A_101] {strides = array<i32>} : memref<400x128xf32, #tpu.memory_space<vmem>>, vector<1x16xf32>,
        %swap3A_103 = vector.shape_cast %swap3A_102 : vector<1x16xf32> to vector<16xf32>
        %swap3A_104 = vector.shape_cast %get3A_98 : vector<16xf32> to vector<1x16xf32>
        tpu.vector_store %arg10[%swap3A, %swap3A_101], %swap3A_104 {add = true, strides = array<i32>} : memref<400x128xf32, #tpu.memory_space<vmem>>, vector<1x16xf32>,
        %add3A_105 = arith.constant 200 : i32
        %add3A_106 = arith.addi %add3A_105, %add3A_95 : i32
        %swap3A_107 = arith.index_cast %add3A_106 : i32 to index
        %swap3A_108 = arith.constant 0 : index
        %swap3A_109 = tpu.vector_load %arg10[%swap3A_107, %swap3A_108] {strides = array<i32>} : memref<400x128xf32, #tpu.memory_space<vmem>>, vector<1x16xf32>,
        %swap3A_110 = vector.shape_cast %swap3A_109 : vector<1x16xf32> to vector<16xf32>
        %swap3A_111 = vector.shape_cast %get3A_98 : vector<16xf32> to vector<1x16xf32>
        tpu.vector_store %arg10[%swap3A_107, %swap3A_108], %swap3A_111 {add = true, strides = array<i32>} : memref<400x128xf32, #tpu.memory_space<vmem>>, vector<1x16xf32>,
        %get3A_112 = arith.index_cast %add3A_95 : i32 to index
        %get3A_113 = arith.constant 16 : index
        %get3A_114 = tpu.vector_load %arg8[%get3A_112, %get3A_113] {strides = array<i32>} : memref<200x128xf32, #tpu.memory_space<vmem>>, vector<1x16xf32>,
        %get3A_115 = vector.shape_cast %get3A_114 : vector<1x16xf32> to vector<16xf32>
        %add3A_116 = arith.constant 0 : i32
        %add3A_117 = arith.addi %add3A_116, %add3A_95 : i32
        %swap3A_118 = arith.index_cast %add3A_117 : i32 to index
        %swap3A_119 = arith.constant 16 : index
        %swap3A_120 = tpu.vector_load %arg10[%swap3A_118, %swap3A_119] {strides = array<i32>} : memref<400x128xf32, #tpu.memory_space<vmem>>, vector<1x16xf32>,
        %swap3A_121 = vector.shape_cast %swap3A_120 : vector<1x16xf32> to vector<16xf32>
        %swap3A_122 = vector.shape_cast %get3A_115 : vector<16xf32> to vector<1x16xf32>
        tpu.vector_store %arg10[%swap3A_118, %swap3A_119], %swap3A_122 {add = true, strides = array<i32>} : memref<400x128xf32, #tpu.memory_space<vmem>>, vector<1x16xf32>,
        %add3A_123 = arith.constant 200 : i32
        %add3A_124 = arith.addi %add3A_123, %add3A_95 : i32
        %swap3A_125 = arith.index_cast %add3A_124 : i32 to index
        %swap3A_126 = arith.constant 16 : index
        %swap3A_127 = tpu.vector_load %arg10[%swap3A_125, %swap3A_126] {strides = array<i32>} : memref<400x128xf32, #tpu.memory_space<vmem>>, vector<1x16xf32>,
        %swap3A_128 = vector.shape_cast %swap3A_127 : vector<1x16xf32> to vector<16xf32>
        %swap3A_129 = vector.shape_cast %get3A_115 : vector<16xf32> to vector<1x16xf32>
        tpu.vector_store %arg10[%swap3A_125, %swap3A_126], %swap3A_129 {add = true, strides = array<i32>} : memref<400x128xf32, #tpu.memory_space<vmem>>, vector<1x16xf32>,
        %get3A_130 = arith.index_cast %add3A_95 : i32 to index
        %get3A_131 = arith.constant 32 : index
        %get3A_132 = tpu.vector_load %arg8[%get3A_130, %get3A_131] {strides = array<i32>} : memref<200x128xf32, #tpu.memory_space<vmem>>, vector<1x16xf32>,
        %get3A_133 = vector.shape_cast %get3A_132 : vector<1x16xf32> to vector<16xf32>
        %add3A_134 = arith.constant 0 : i32
        %add3A_135 = arith.addi %add3A_134, %add3A_95 : i32
        %swap3A_136 = arith.index_cast %add3A_135 : i32 to index
        %swap3A_137 = arith.constant 32 : index
        %swap3A_138 = tpu.vector_load %arg10[%swap3A_136, %swap3A_137] {strides = array<i32>} : memref<400x128xf32, #tpu.memory_space<vmem>>, vector<1x16xf32>,
        %swap3A_139 = vector.shape_cast %swap3A_138 : vector<1x16xf32> to vector<16xf32>
        %swap3A_140 = vector.shape_cast %get3A_133 : vector<16xf32> to vector<1x16xf32>
        tpu.vector_store %arg10[%swap3A_136, %swap3A_137], %swap3A_140 {add = true, strides = array<i32>} : memref<400x128xf32, #tpu.memory_space<vmem>>, vector<1x16xf32>,
        %add3A_141 = arith.constant 200 : i32
        %add3A_142 = arith.addi %add3A_141, %add3A_95 : i32
        %swap3A_143 = arith.index_cast %add3A_142 : i32 to index
        %swap3A_144 = arith.constant 32 : index
        %swap3A_145 = tpu.vector_load %arg10[%swap3A_143, %swap3A_144] {strides = array<i32>} : memref<400x128xf32, #tpu.memory_space<vmem>>, vector<1x16xf32>,
        %swap3A_146 = vector.shape_cast %swap3A_145 : vector<1x16xf32> to vector<16xf32>
        %swap3A_147 = vector.shape_cast %get3A_133 : vector<16xf32> to vector<1x16xf32>
        tpu.vector_store %arg10[%swap3A_143, %swap3A_144], %swap3A_147 {add = true, strides = array<i32>} : memref<400x128xf32, #tpu.memory_space<vmem>>, vector<1x16xf32>,
        %get3A_148 = arith.index_cast %add3A_95 : i32 to index
        %get3A_149 = arith.constant 48 : index
        %get3A_150 = tpu.vector_load %arg8[%get3A_148, %get3A_149] {strides = array<i32>} : memref<200x128xf32, #tpu.memory_space<vmem>>, vector<1x16xf32>,
        %get3A_151 = vector.shape_cast %get3A_150 : vector<1x16xf32> to vector<16xf32>
        %add3A_152 = arith.constant 0 : i32
        %add3A_153 = arith.addi %add3A_152, %add3A_95 : i32
        %swap3A_154 = arith.index_cast %add3A_153 : i32 to index
        %swap3A_155 = arith.constant 48 : index
        %swap3A_156 = tpu.vector_load %arg10[%swap3A_154, %swap3A_155] {strides = array<i32>} : memref<400x128xf32, #tpu.memory_space<vmem>>, vector<1x16xf32>,
        %swap3A_157 = vector.shape_cast %swap3A_156 : vector<1x16xf32> to vector<16xf32>
        %swap3A_158 = vector.shape_cast %get3A_151 : vector<16xf32> to vector<1x16xf32>
        tpu.vector_store %arg10[%swap3A_154, %swap3A_155], %swap3A_158 {add = true, strides = array<i32>} : memref<400x128xf32, #tpu.memory_space<vmem>>, vector<1x16xf32>,
        %add3A_159 = arith.constant 200 : i32
        %add3A_160 = arith.addi %add3A_159, %add3A_95 : i32
        %swap3A_161 = arith.index_cast %add3A_160 : i32 to index
        %swap3A_162 = arith.constant 48 : index
        %swap3A_163 = tpu.vector_load %arg10[%swap3A_161, %swap3A_162] {strides = array<i32>} : memref<400x128xf32, #tpu.memory_space<vmem>>, vector<1x16xf32>,
        %swap3A_164 = vector.shape_cast %swap3A_163 : vector<1x16xf32> to vector<16xf32>
        %swap3A_165 = vector.shape_cast %get3A_151 : vector<16xf32> to vector<1x16xf32>
        tpu.vector_store %arg10[%swap3A_161, %swap3A_162], %swap3A_165 {add = true, strides = array<i32>} : memref<400x128xf32, #tpu.memory_space<vmem>>, vector<1x16xf32>,
        %get3A_166 = arith.index_cast %add3A_95 : i32 to index
        %get3A_167 = arith.constant 64 : index
        %get3A_168 = tpu.vector_load %arg8[%get3A_166, %get3A_167] {strides = array<i32>} : memref<200x128xf32, #tpu.memory_space<vmem>>, vector<1x16xf32>,
        %get3A_169 = vector.shape_cast %get3A_168 : vector<1x16xf32> to vector<16xf32>
        %add3A_170 = arith.constant 0 : i32
        %add3A_171 = arith.addi %add3A_170, %add3A_95 : i32
        %swap3A_172 = arith.index_cast %add3A_171 : i32 to index
        %swap3A_173 = arith.constant 64 : index
        %swap3A_174 = tpu.vector_load %arg10[%swap3A_172, %swap3A_173] {strides = array<i32>} : memref<400x128xf32, #tpu.memory_space<vmem>>, vector<1x16xf32>,
        %swap3A_175 = vector.shape_cast %swap3A_174 : vector<1x16xf32> to vector<16xf32>
        %swap3A_176 = vector.shape_cast %get3A_169 : vector<16xf32> to vector<1x16xf32>
        tpu.vector_store %arg10[%swap3A_172, %swap3A_173], %swap3A_176 {add = true, strides = array<i32>} : memref<400x128xf32, #tpu.memory_space<vmem>>, vector<1x16xf32>,
        %add3A_177 = arith.constant 200 : i32
        %add3A_178 = arith.addi %add3A_177, %add3A_95 : i32
        %swap3A_179 = arith.index_cast %add3A_178 : i32 to index
        %swap3A_180 = arith.constant 64 : index
        %swap3A_181 = tpu.vector_load %arg10[%swap3A_179, %swap3A_180] {strides = array<i32>} : memref<400x128xf32, #tpu.memory_space<vmem>>, vector<1x16xf32>,
        %swap3A_182 = vector.shape_cast %swap3A_181 : vector<1x16xf32> to vector<16xf32>
        %swap3A_183 = vector.shape_cast %get3A_169 : vector<16xf32> to vector<1x16xf32>
        tpu.vector_store %arg10[%swap3A_179, %swap3A_180], %swap3A_183 {add = true, strides = array<i32>} : memref<400x128xf32, #tpu.memory_space<vmem>>, vector<1x16xf32>,
        %get3A_184 = arith.index_cast %add3A_95 : i32 to index
        %get3A_185 = arith.constant 80 : index
        %get3A_186 = tpu.vector_load %arg8[%get3A_184, %get3A_185] {strides = array<i32>} : memref<200x128xf32, #tpu.memory_space<vmem>>, vector<1x16xf32>,
        %get3A_187 = vector.shape_cast %get3A_186 : vector<1x16xf32> to vector<16xf32>
        %add3A_188 = arith.constant 0 : i32
        %add3A_189 = arith.addi %add3A_188, %add3A_95 : i32
        %swap3A_190 = arith.index_cast %add3A_189 : i32 to index
        %swap3A_191 = arith.constant 80 : index
        %swap3A_192 = tpu.vector_load %arg10[%swap3A_190, %swap3A_191] {strides = array<i32>} : memref<400x128xf32, #tpu.memory_space<vmem>>, vector<1x16xf32>,
        %swap3A_193 = vector.shape_cast %swap3A_192 : vector<1x16xf32> to vector<16xf32>
        %swap3A_194 = vector.shape_cast %get3A_187 : vector<16xf32> to vector<1x16xf32>
        tpu.vector_store %arg10[%swap3A_190, %swap3A_191], %swap3A_194 {add = true, strides = array<i32>} : memref<400x128xf32, #tpu.memory_space<vmem>>, vector<1x16xf32>,
        %add3A_195 = arith.constant 200 : i32
        %add3A_196 = arith.addi %add3A_195, %add3A_95 : i32
        %swap3A_197 = arith.index_cast %add3A_196 : i32 to index
        %swap3A_198 = arith.constant 80 : index
        %swap3A_199 = tpu.vector_load %arg10[%swap3A_197, %swap3A_198] {strides = array<i32>} : memref<400x128xf32, #tpu.memory_space<vmem>>, vector<1x16xf32>,
        %swap3A_200 = vector.shape_cast %swap3A_199 : vector<1x16xf32> to vector<16xf32>
        %swap3A_201 = vector.shape_cast %get3A_187 : vector<16xf32> to vector<1x16xf32>
        tpu.vector_store %arg10[%swap3A_197, %swap3A_198], %swap3A_201 {add = true, strides = array<i32>} : memref<400x128xf32, #tpu.memory_space<vmem>>, vector<1x16xf32>,
        %get3A_202 = arith.index_cast %add3A_95 : i32 to index
        %get3A_203 = arith.constant 96 : index
        %get3A_204 = tpu.vector_load %arg8[%get3A_202, %get3A_203] {strides = array<i32>} : memref<200x128xf32, #tpu.memory_space<vmem>>, vector<1x16xf32>,
        %get3A_205 = vector.shape_cast %get3A_204 : vector<1x16xf32> to vector<16xf32>
        %add3A_206 = arith.constant 0 : i32
        %add3A_207 = arith.addi %add3A_206, %add3A_95 : i32
        %swap3A_208 = arith.index_cast %add3A_207 : i32 to index
        %swap3A_209 = arith.constant 96 : index
        %swap3A_210 = tpu.vector_load %arg10[%swap3A_208, %swap3A_209] {strides = array<i32>} : memref<400x128xf32, #tpu.memory_space<vmem>>, vector<1x16xf32>,
        %swap3A_211 = vector.shape_cast %swap3A_210 : vector<1x16xf32> to vector<16xf32>
        %swap3A_212 = vector.shape_cast %get3A_205 : vector<16xf32> to vector<1x16xf32>
        tpu.vector_store %arg10[%swap3A_208, %swap3A_209], %swap3A_212 {add = true, strides = array<i32>} : memref<400x128xf32, #tpu.memory_space<vmem>>, vector<1x16xf32>,
        %add3A_213 = arith.constant 200 : i32
        %add3A_214 = arith.addi %add3A_213, %add3A_95 : i32
        %swap3A_215 = arith.index_cast %add3A_214 : i32 to index
        %swap3A_216 = arith.constant 96 : index
        %swap3A_217 = tpu.vector_load %arg10[%swap3A_215, %swap3A_216] {strides = array<i32>} : memref<400x128xf32, #tpu.memory_space<vmem>>, vector<1x16xf32>,
        %swap3A_218 = vector.shape_cast %swap3A_217 : vector<1x16xf32> to vector<16xf32>
        %swap3A_219 = vector.shape_cast %get3A_205 : vector<16xf32> to vector<1x16xf32>
        tpu.vector_store %arg10[%swap3A_215, %swap3A_216], %swap3A_219 {add = true, strides = array<i32>} : memref<400x128xf32, #tpu.memory_space<vmem>>, vector<1x16xf32>,
        %get3A_220 = arith.index_cast %add3A_95 : i32 to index
        %get3A_221 = arith.constant 112 : index
        %get3A_222 = tpu.vector_load %arg8[%get3A_220, %get3A_221] {strides = array<i32>} : memref<200x128xf32, #tpu.memory_space<vmem>>, vector<1x16xf32>,
        %get3A_223 = vector.shape_cast %get3A_222 : vector<1x16xf32> to vector<16xf32>
        %add3A_224 = arith.constant 0 : i32
        %add3A_225 = arith.addi %add3A_224, %add3A_95 : i32
        %swap3A_226 = arith.index_cast %add3A_225 : i32 to index
        %swap3A_227 = arith.constant 112 : index
        %swap3A_228 = tpu.vector_load %arg10[%swap3A_226, %swap3A_227] {strides = array<i32>} : memref<400x128xf32, #tpu.memory_space<vmem>>, vector<1x16xf32>,
        %swap3A_229 = vector.shape_cast %swap3A_228 : vector<1x16xf32> to vector<16xf32>
        %swap3A_230 = vector.shape_cast %get3A_223 : vector<16xf32> to vector<1x16xf32>
        tpu.vector_store %arg10[%swap3A_226, %swap3A_227], %swap3A_230 {add = true, strides = array<i32>} : memref<400x128xf32, #tpu.memory_space<vmem>>, vector<1x16xf32>,
        %add3A_231 = arith.constant 200 : i32
        %add3A_232 = arith.addi %add3A_231, %add3A_95 : i32
        %swap3A_233 = arith.index_cast %add3A_232 : i32 to index
        %swap3A_234 = arith.constant 112 : index
        %swap3A_235 = tpu.vector_load %arg10[%swap3A_233, %swap3A_234] {strides = array<i32>} : memref<400x128xf32, #tpu.memory_space<vmem>>, vector<1x16xf32>,
        %swap3A_236 = vector.shape_cast %swap3A_235 : vector<1x16xf32> to vector<16xf32>
        %swap3A_237 = vector.shape_cast %get3A_223 : vector<16xf32> to vector<1x16xf32>
        tpu.vector_store %arg10[%swap3A_233, %swap3A_234], %swap3A_237 {add = true, strides = array<i32>} : memref<400x128xf32, #tpu.memory_space<vmem>>, vector<1x16xf32>,
        %scan3A_238 = arith.constant 1 : i32
        %scan3A_239 = arith.addi %scan3A_91, %scan3A_238 : i32
        %mul3A_240 = arith.constant 1 : i32
        %mul3A_241 = arith.muli %scan3A_239, %mul3A_240 : i32
        %add3A_242 = arith.constant 0 : i32
        %add3A_243 = arith.addi %add3A_242, %mul3A_241 : i32
        %get3A_244 = arith.index_cast %add3A_243 : i32 to index
        %get3A_245 = arith.constant 0 : index
        %get3A_246 = tpu.vector_load %arg8[%get3A_244, %get3A_245] {strides = array<i32>} : memref<200x128xf32, #tpu.memory_space<vmem>>, vector<1x16xf32>,
        %get3A_247 = vector.shape_cast %get3A_246 : vector<1x16xf32> to vector<16xf32>
        %add3A_248 = arith.constant 0 : i32
        %add3A_249 = arith.addi %add3A_248, %add3A_243 : i32
        %swap3A_250 = arith.index_cast %add3A_249 : i32 to index
        %swap3A_251 = arith.constant 0 : index
        %swap3A_252 = tpu.vector_load %arg10[%swap3A_250, %swap3A_251] {strides = array<i32>} : memref<400x128xf32, #tpu.memory_space<vmem>>, vector<1x16xf32>,
        %swap3A_253 = vector.shape_cast %swap3A_252 : vector<1x16xf32> to vector<16xf32>
        %swap3A_254 = vector.shape_cast %get3A_247 : vector<16xf32> to vector<1x16xf32>
        tpu.vector_store %arg10[%swap3A_250, %swap3A_251], %swap3A_254 {add = true, strides = array<i32>} : memref<400x128xf32, #tpu.memory_space<vmem>>, vector<1x16xf32>,
        %add3A_255 = arith.constant 200 : i32
        %add3A_256 = arith.addi %add3A_255, %add3A_243 : i32
        %swap3A_257 = arith.index_cast %add3A_256 : i32 to index
        %swap3A_258 = arith.constant 0 : index
        %swap3A_259 = tpu.vector_load %arg10[%swap3A_257, %swap3A_258] {strides = array<i32>} : memref<400x128xf32, #tpu.memory_space<vmem>>, vector<1x16xf32>,
        %swap3A_260 = vector.shape_cast %swap3A_259 : vector<1x16xf32> to vector<16xf32>
        %swap3A_261 = vector.shape_cast %get3A_247 : vector<16xf32> to vector<1x16xf32>
        tpu.vector_store %arg10[%swap3A_257, %swap3A_258], %swap3A_261 {add = true, strides = array<i32>} : memref<400x128xf32, #tpu.memory_space<vmem>>, vector<1x16xf32>,
        %get3A_262 = arith.index_cast %add3A_243 : i32 to index
        %get3A_263 = arith.constant 16 : index
        %get3A_264 = tpu.vector_load %arg8[%get3A_262, %get3A_263] {strides = array<i32>} : memref<200x128xf32, #tpu.memory_space<vmem>>, vector<1x16xf32>,
        %get3A_265 = vector.shape_cast %get3A_264 : vector<1x16xf32> to vector<16xf32>
        %add3A_266 = arith.constant 0 : i32
        %add3A_267 = arith.addi %add3A_266, %add3A_243 : i32
        %swap3A_268 = arith.index_cast %add3A_267 : i32 to index
        %swap3A_269 = arith.constant 16 : index
        %swap3A_270 = tpu.vector_load %arg10[%swap3A_268, %swap3A_269] {strides = array<i32>} : memref<400x128xf32, #tpu.memory_space<vmem>>, vector<1x16xf32>,
        %swap3A_271 = vector.shape_cast %swap3A_270 : vector<1x16xf32> to vector<16xf32>
        %swap3A_272 = vector.shape_cast %get3A_265 : vector<16xf32> to vector<1x16xf32>
        tpu.vector_store %arg10[%swap3A_268, %swap3A_269], %swap3A_272 {add = true, strides = array<i32>} : memref<400x128xf32, #tpu.memory_space<vmem>>, vector<1x16xf32>,
        %add3A_273 = arith.constant 200 : i32
        %add3A_274 = arith.addi %add3A_273, %add3A_243 : i32
        %swap3A_275 = arith.index_cast %add3A_274 : i32 to index
        %swap3A_276 = arith.constant 16 : index
        %swap3A_277 = tpu.vector_load %arg10[%swap3A_275, %swap3A_276] {strides = array<i32>} : memref<400x128xf32, #tpu.memory_space<vmem>>, vector<1x16xf32>,
        %swap3A_278 = vector.shape_cast %swap3A_277 : vector<1x16xf32> to vector<16xf32>
        %swap3A_279 = vector.shape_cast %get3A_265 : vector<16xf32> to vector<1x16xf32>
        tpu.vector_store %arg10[%swap3A_275, %swap3A_276], %swap3A_279 {add = true, strides = array<i32>} : memref<400x128xf32, #tpu.memory_space<vmem>>, vector<1x16xf32>,
        %get3A_280 = arith.index_cast %add3A_243 : i32 to index
        %get3A_281 = arith.constant 32 : index
        %get3A_282 = tpu.vector_load %arg8[%get3A_280, %get3A_281] {strides = array<i32>} : memref<200x128xf32, #tpu.memory_space<vmem>>, vector<1x16xf32>,
        %get3A_283 = vector.shape_cast %get3A_282 : vector<1x16xf32> to vector<16xf32>
        %add3A_284 = arith.constant 0 : i32
        %add3A_285 = arith.addi %add3A_284, %add3A_243 : i32
        %swap3A_286 = arith.index_cast %add3A_285 : i32 to index
        %swap3A_287 = arith.constant 32 : index
        %swap3A_288 = tpu.vector_load %arg10[%swap3A_286, %swap3A_287] {strides = array<i32>} : memref<400x128xf32, #tpu.memory_space<vmem>>, vector<1x16xf32>,
        %swap3A_289 = vector.shape_cast %swap3A_288 : vector<1x16xf32> to vector<16xf32>
        %swap3A_290 = vector.shape_cast %get3A_283 : vector<16xf32> to vector<1x16xf32>
        tpu.vector_store %arg10[%swap3A_286, %swap3A_287], %swap3A_290 {add = true, strides = array<i32>} : memref<400x128xf32, #tpu.memory_space<vmem>>, vector<1x16xf32>,
        %add3A_291 = arith.constant 200 : i32
        %add3A_292 = arith.addi %add3A_291, %add3A_243 : i32
        %swap3A_293 = arith.index_cast %add3A_292 : i32 to index
        %swap3A_294 = arith.constant 32 : index
        %swap3A_295 = tpu.vector_load %arg10[%swap3A_293, %swap3A_294] {strides = array<i32>} : memref<400x128xf32, #tpu.memory_space<vmem>>, vector<1x16xf32>,
        %swap3A_296 = vector.shape_cast %swap3A_295 : vector<1x16xf32> to vector<16xf32>
        %swap3A_297 = vector.shape_cast %get3A_283 : vector<16xf32> to vector<1x16xf32>
        tpu.vector_store %arg10[%swap3A_293, %swap3A_294], %swap3A_297 {add = true, strides = array<i32>} : memref<400x128xf32, #tpu.memory_space<vmem>>, vector<1x16xf32>,
        %get3A_298 = arith.index_cast %add3A_243 : i32 to index
        %get3A_299 = arith.constant 48 : index
        %get3A_300 = tpu.vector_load %arg8[%get3A_298, %get3A_299] {strides = array<i32>} : memref<200x128xf32, #tpu.memory_space<vmem>>, vector<1x16xf32>,
        %get3A_301 = vector.shape_cast %get3A_300 : vector<1x16xf32> to vector<16xf32>
        %add3A_302 = arith.constant 0 : i32
        %add3A_303 = arith.addi %add3A_302, %add3A_243 : i32
        %swap3A_304 = arith.index_cast %add3A_303 : i32 to index
        %swap3A_305 = arith.constant 48 : index
        %swap3A_306 = tpu.vector_load %arg10[%swap3A_304, %swap3A_305] {strides = array<i32>} : memref<400x128xf32, #tpu.memory_space<vmem>>, vector<1x16xf32>,
        %swap3A_307 = vector.shape_cast %swap3A_306 : vector<1x16xf32> to vector<16xf32>
        %swap3A_308 = vector.shape_cast %get3A_301 : vector<16xf32> to vector<1x16xf32>
        tpu.vector_store %arg10[%swap3A_304, %swap3A_305], %swap3A_308 {add = true, strides = array<i32>} : memref<400x128xf32, #tpu.memory_space<vmem>>, vector<1x16xf32>,
        %add3A_309 = arith.constant 200 : i32
        %add3A_310 = arith.addi %add3A_309, %add3A_243 : i32
        %swap3A_311 = arith.index_cast %add3A_310 : i32 to index
        %swap3A_312 = arith.constant 48 : index
        %swap3A_313 = tpu.vector_load %arg10[%swap3A_311, %swap3A_312] {strides = array<i32>} : memref<400x128xf32, #tpu.memory_space<vmem>>, vector<1x16xf32>,
        %swap3A_314 = vector.shape_cast %swap3A_313 : vector<1x16xf32> to vector<16xf32>
        %swap3A_315 = vector.shape_cast %get3A_301 : vector<16xf32> to vector<1x16xf32>
        tpu.vector_store %arg10[%swap3A_311, %swap3A_312], %swap3A_315 {add = true, strides = array<i32>} : memref<400x128xf32, #tpu.memory_space<vmem>>, vector<1x16xf32>,
        %get3A_316 = arith.index_cast %add3A_243 : i32 to index
        %get3A_317 = arith.constant 64 : index
        %get3A_318 = tpu.vector_load %arg8[%get3A_316, %get3A_317] {strides = array<i32>} : memref<200x128xf32, #tpu.memory_space<vmem>>, vector<1x16xf32>,
        %get3A_319 = vector.shape_cast %get3A_318 : vector<1x16xf32> to vector<16xf32>
        %add3A_320 = arith.constant 0 : i32
        %add3A_321 = arith.addi %add3A_320, %add3A_243 : i32
        %swap3A_322 = arith.index_cast %add3A_321 : i32 to index
        %swap3A_323 = arith.constant 64 : index
        %swap3A_324 = tpu.vector_load %arg10[%swap3A_322, %swap3A_323] {strides = array<i32>} : memref<400x128xf32, #tpu.memory_space<vmem>>, vector<1x16xf32>,
        %swap3A_325 = vector.shape_cast %swap3A_324 : vector<1x16xf32> to vector<16xf32>
        %swap3A_326 = vector.shape_cast %get3A_319 : vector<16xf32> to vector<1x16xf32>
        tpu.vector_store %arg10[%swap3A_322, %swap3A_323], %swap3A_326 {add = true, strides = array<i32>} : memref<400x128xf32, #tpu.memory_space<vmem>>, vector<1x16xf32>,
        %add3A_327 = arith.constant 200 : i32
        %add3A_328 = arith.addi %add3A_327, %add3A_243 : i32
        %swap3A_329 = arith.index_cast %add3A_328 : i32 to index
        %swap3A_330 = arith.constant 64 : index
        %swap3A_331 = tpu.vector_load %arg10[%swap3A_329, %swap3A_330] {strides = array<i32>} : memref<400x128xf32, #tpu.memory_space<vmem>>, vector<1x16xf32>,
        %swap3A_332 = vector.shape_cast %swap3A_331 : vector<1x16xf32> to vector<16xf32>
        %swap3A_333 = vector.shape_cast %get3A_319 : vector<16xf32> to vector<1x16xf32>
        tpu.vector_store %arg10[%swap3A_329, %swap3A_330], %swap3A_333 {add = true, strides = array<i32>} : memref<400x128xf32, #tpu.memory_space<vmem>>, vector<1x16xf32>,
        %get3A_334 = arith.index_cast %add3A_243 : i32 to index
        %get3A_335 = arith.constant 80 : index
        %get3A_336 = tpu.vector_load %arg8[%get3A_334, %get3A_335] {strides = array<i32>} : memref<200x128xf32, #tpu.memory_space<vmem>>, vector<1x16xf32>,
        %get3A_337 = vector.shape_cast %get3A_336 : vector<1x16xf32> to vector<16xf32>
        %add3A_338 = arith.constant 0 : i32
        %add3A_339 = arith.addi %add3A_338, %add3A_243 : i32
        %swap3A_340 = arith.index_cast %add3A_339 : i32 to index
        %swap3A_341 = arith.constant 80 : index
        %swap3A_342 = tpu.vector_load %arg10[%swap3A_340, %swap3A_341] {strides = array<i32>} : memref<400x128xf32, #tpu.memory_space<vmem>>, vector<1x16xf32>,
        %swap3A_343 = vector.shape_cast %swap3A_342 : vector<1x16xf32> to vector<16xf32>
        %swap3A_344 = vector.shape_cast %get3A_337 : vector<16xf32> to vector<1x16xf32>
        tpu.vector_store %arg10[%swap3A_340, %swap3A_341], %swap3A_344 {add = true, strides = array<i32>} : memref<400x128xf32, #tpu.memory_space<vmem>>, vector<1x16xf32>,
        %add3A_345 = arith.constant 200 : i32
        %add3A_346 = arith.addi %add3A_345, %add3A_243 : i32
        %swap3A_347 = arith.index_cast %add3A_346 : i32 to index
        %swap3A_348 = arith.constant 80 : index
        %swap3A_349 = tpu.vector_load %arg10[%swap3A_347, %swap3A_348] {strides = array<i32>} : memref<400x128xf32, #tpu.memory_space<vmem>>, vector<1x16xf32>,
        %swap3A_350 = vector.shape_cast %swap3A_349 : vector<1x16xf32> to vector<16xf32>
        %swap3A_351 = vector.shape_cast %get3A_337 : vector<16xf32> to vector<1x16xf32>
        tpu.vector_store %arg10[%swap3A_347, %swap3A_348], %swap3A_351 {add = true, strides = array<i32>} : memref<400x128xf32, #tpu.memory_space<vmem>>, vector<1x16xf32>,
        %get3A_352 = arith.index_cast %add3A_243 : i32 to index
        %get3A_353 = arith.constant 96 : index
        %get3A_354 = tpu.vector_load %arg8[%get3A_352, %get3A_353] {strides = array<i32>} : memref<200x128xf32, #tpu.memory_space<vmem>>, vector<1x16xf32>,
        %get3A_355 = vector.shape_cast %get3A_354 : vector<1x16xf32> to vector<16xf32>
        %add3A_356 = arith.constant 0 : i32
        %add3A_357 = arith.addi %add3A_356, %add3A_243 : i32
        %swap3A_358 = arith.index_cast %add3A_357 : i32 to index
        %swap3A_359 = arith.constant 96 : index
        %swap3A_360 = tpu.vector_load %arg10[%swap3A_358, %swap3A_359] {strides = array<i32>} : memref<400x128xf32, #tpu.memory_space<vmem>>, vector<1x16xf32>,
        %swap3A_361 = vector.shape_cast %swap3A_360 : vector<1x16xf32> to vector<16xf32>
        %swap3A_362 = vector.shape_cast %get3A_355 : vector<16xf32> to vector<1x16xf32>
        tpu.vector_store %arg10[%swap3A_358, %swap3A_359], %swap3A_362 {add = true, strides = array<i32>} : memref<400x128xf32, #tpu.memory_space<vmem>>, vector<1x16xf32>,
        %add3A_363 = arith.constant 200 : i32
        %add3A_364 = arith.addi %add3A_363, %add3A_243 : i32
        %swap3A_365 = arith.index_cast %add3A_364 : i32 to index
        %swap3A_366 = arith.constant 96 : index
        %swap3A_367 = tpu.vector_load %arg10[%swap3A_365, %swap3A_366] {strides = array<i32>} : memref<400x128xf32, #tpu.memory_space<vmem>>, vector<1x16xf32>,
        %swap3A_368 = vector.shape_cast %swap3A_367 : vector<1x16xf32> to vector<16xf32>
        %swap3A_369 = vector.shape_cast %get3A_355 : vector<16xf32> to vector<1x16xf32>
        tpu.vector_store %arg10[%swap3A_365, %swap3A_366], %swap3A_369 {add = true, strides = array<i32>} : memref<400x128xf32, #tpu.memory_space<vmem>>, vector<1x16xf32>,
        %get3A_370 = arith.index_cast %add3A_243 : i32 to index
        %get3A_371 = arith.constant 112 : index
        %get3A_372 = tpu.vector_load %arg8[%get3A_370, %get3A_371] {strides = array<i32>} : memref<200x128xf32, #tpu.memory_space<vmem>>, vector<1x16xf32>,
        %get3A_373 = vector.shape_cast %get3A_372 : vector<1x16xf32> to vector<16xf32>
        %add3A_374 = arith.constant 0 : i32
        %add3A_375 = arith.addi %add3A_374, %add3A_243 : i32
        %swap3A_376 = arith.index_cast %add3A_375 : i32 to index
        %swap3A_377 = arith.constant 112 : index
        %swap3A_378 = tpu.vector_load %arg10[%swap3A_376, %swap3A_377] {strides = array<i32>} : memref<400x128xf32, #tpu.memory_space<vmem>>, vector<1x16xf32>,
        %swap3A_379 = vector.shape_cast %swap3A_378 : vector<1x16xf32> to vector<16xf32>
        %swap3A_380 = vector.shape_cast %get3A_373 : vector<16xf32> to vector<1x16xf32>
        tpu.vector_store %arg10[%swap3A_376, %swap3A_377], %swap3A_380 {add = true, strides = array<i32>} : memref<400x128xf32, #tpu.memory_space<vmem>>, vector<1x16xf32>,
        %add3A_381 = arith.constant 200 : i32
        %add3A_382 = arith.addi %add3A_381, %add3A_243 : i32
        %swap3A_383 = arith.index_cast %add3A_382 : i32 to index
        %swap3A_384 = arith.constant 112 : index
        %swap3A_385 = tpu.vector_load %arg10[%swap3A_383, %swap3A_384] {strides = array<i32>} : memref<400x128xf32, #tpu.memory_space<vmem>>, vector<1x16xf32>,
        %swap3A_386 = vector.shape_cast %swap3A_385 : vector<1x16xf32> to vector<16xf32>
        %swap3A_387 = vector.shape_cast %get3A_373 : vector<16xf32> to vector<1x16xf32>
        tpu.vector_store %arg10[%swap3A_383, %swap3A_384], %swap3A_387 {add = true, strides = array<i32>} : memref<400x128xf32, #tpu.memory_space<vmem>>, vector<1x16xf32>,
      }
      %scan3A_69 = arith.constant 200 : i32
      %mul3A_70 = arith.constant 400 : i32
      %mul3A_71 = arith.muli %add3A_56, %mul3A_70 : i32
      %add3A_72 = arith.addi %mul3A_2, %mul3A_71 : i32
      %dma_start3A_73 = arith.constant 0 : i32
      %dma_start3A_74 = tpu.memref_slice %arg5[%add3A_72, %dma_start3A_73] : memref<204800x128xf32, #tpu.memory_space<hbm>> -> memref<400x128xf32, #tpu.memory_space<hbm>>
      %dma_start3A_75 = arith.constant 0 : i32
      %dma_start3A_76 = tpu.memref_slice %arg5[%add3A_72, %dma_start3A_75] : memref<204800x128xf32, #tpu.memory_space<hbm>> -> memref<400x128xf32, #tpu.memory_space<hbm>>
      tpu.enqueue_dma source(%arg10 : memref<400x128xf32, #tpu.memory_space<vmem>>) target(%dma_start3A_76 : memref<400x128xf32, #tpu.memory_space<hbm>>) target_semaphore(%arg16 : memref<!tpu.dma_semaphore, #tpu.memory_space<semaphore_mem>>)
      %add3A_77 = arith.constant 1 : i32
      %add3A_78 = arith.addi %add3A_56, %add3A_77 : i32
      %lt3A_79 = arith.constant 16 : i32
      %lt3A_80 = arith.cmpi slt, %add3A_78, %lt3A_79 : i32
      %convert_element_type3A_81 = arith.extui %lt3A_80 : i1 to i32
      %cond3A_82 = arith.constant 0 : i32
      %cond3A_83 = arith.cmpi ne, %convert_element_type3A_81, %cond3A_82 : i32
      scf.if %cond3A_83 {
        %add3A_91 = arith.constant 1 : i32
        %add3A_92 = arith.addi %add3A_56, %add3A_91 : i32
        %mul3A_93 = arith.constant 400 : i32
        %mul3A_94 = arith.muli %add3A_92, %mul3A_93 : i32
        %add3A_95 = arith.addi %mul3A_2, %mul3A_94 : i32
        %dma_wait3A_96 = tpu.memref_slice %arg2[%add3A_95] : memref<204800xi32, #tpu.memory_space<hbm>> -> memref<400xi32, #tpu.memory_space<hbm>>
        %dma_wait3A_97 = tpu.memref_slice %arg2[%add3A_95] : memref<204800xi32, #tpu.memory_space<hbm>> -> memref<400xi32, #tpu.memory_space<hbm>>
        tpu.wait_dma2 semaphore(%arg11 : memref<!tpu.dma_semaphore, #tpu.memory_space<semaphore_mem>>) src(%dma_wait3A_97 : memref<400xi32, #tpu.memory_space<hbm>>) dst(%arg6 : memref<400xi32, #tpu.memory_space<vmem>>)
        %dma_start3A_98 = arith.constant 0 : i32
        %dma_start3A_99 = arith.constant 0 : i32
        %dma_start3A_100 = tpu.memref_slice %arg4[%dma_start3A_98, %dma_start3A_99] : memref<100000x128xf32, #tpu.memory_space<hbm>> -> memref<100000x128xf32, #tpu.memory_space<hbm>>
        tpu.enqueue_indirect_dma source(%dma_start3A_100 : memref<100000x128xf32, #tpu.memory_space<hbm>>) target(%arg9 : memref<400x128xf32, #tpu.memory_space<vmem>>) offsets(%arg6 : memref<400xi32, #tpu.memory_space<vmem>>) semaphore(%arg13 : memref<!tpu.dma_semaphore, #tpu.memory_space<semaphore_mem>>)
      } else {
      }
      %add3A_84 = arith.constant 2 : i32
      %add3A_85 = arith.addi %add3A_56, %add3A_84 : i32
      %lt3A_86 = arith.constant 16 : i32
      %lt3A_87 = arith.cmpi slt, %add3A_85, %lt3A_86 : i32
      %convert_element_type3A_88 = arith.extui %lt3A_87 : i1 to i32
      %cond3A_89 = arith.constant 0 : i32
      %cond3A_90 = arith.cmpi ne, %convert_element_type3A_88, %cond3A_89 : i32
      scf.if %cond3A_90 {
        %add3A_91 = arith.constant 2 : i32
        %add3A_92 = arith.addi %add3A_56, %add3A_91 : i32
        %mul3A_93 = arith.constant 400 : i32
        %mul3A_94 = arith.muli %add3A_92, %mul3A_93 : i32
        %add3A_95 = arith.addi %mul3A_2, %mul3A_94 : i32
        %dma_start3A_96 = tpu.memref_slice %arg2[%add3A_95] : memref<204800xi32, #tpu.memory_space<hbm>> -> memref<400xi32, #tpu.memory_space<hbm>>
        %dma_start3A_97 = tpu.memref_slice %arg2[%add3A_95] : memref<204800xi32, #tpu.memory_space<hbm>> -> memref<400xi32, #tpu.memory_space<hbm>>
        tpu.enqueue_dma source(%dma_start3A_97 : memref<400xi32, #tpu.memory_space<hbm>>) target(%arg7 : memref<400xi32, #tpu.memory_space<vmem>>) target_semaphore(%arg12 : memref<!tpu.dma_semaphore, #tpu.memory_space<semaphore_mem>>)
      } else {
      }
    }
    %scan3A_12 = arith.constant 8 : i32
    %add3A_13 = arith.constant 6000 : i32
    %add3A_14 = arith.addi %mul3A_2, %add3A_13 : i32
    %dma_wait3A = arith.constant 0 : i32
    %dma_wait3A_15 = tpu.memref_slice %arg5[%add3A_14, %dma_wait3A] : memref<204800x128xf32, #tpu.memory_space<hbm>> -> memref<400x128xf32, #tpu.memory_space<hbm>>
    %dma_wait3A_16 = arith.constant 0 : i32
    %dma_wait3A_17 = tpu.memref_slice %arg5[%add3A_14, %dma_wait3A_16] : memref<204800x128xf32, #tpu.memory_space<hbm>> -> memref<400x128xf32, #tpu.memory_space<hbm>>
    tpu.wait_dma2 semaphore(%arg16 : memref<!tpu.dma_semaphore, #tpu.memory_space<semaphore_mem>>) src(%arg10 : memref<400x128xf32, #tpu.memory_space<vmem>>) dst(%dma_wait3A_17 : memref<400x128xf32, #tpu.memory_space<hbm>>)
    return
  }
}

</mosaic_0001>

<sc_bundles>
// kernel: _sc_embed.3.cloned.1.call-start
scs
__scs_entry_jumppad:
0x0: {  	(pc) =	sbr.rel $0x88, $3  }
0x1: {  	(tag) =	ssettag $0x0;
	lr =	simm.s32 $0x1  }
0x2: {  	[smem:$0x3F9E] =	sst lr;
	_ =	strace $0xD0000000  }
0x3: {  	_ = 	snop  }
0x4: {  	_ = 	snop  }
0x5: {  	_ = 	snop  }
0x6: {  	_ = 	snop  }
0x7: {  	_ = 	snop  }
__scs_overlays_trampoline_lowered:
0x8: {  	[smem:$0x3FAD] =	sst s0  }
0x9: {  	[smem:$0x3FAE] =	sst s1  }
0xa: {  	[smem:$0x3FAF] =	sst s2  }
0xb: {  	[smem:$0x3FB0] =	sst s3  }
0xc: {  	[smem:$0x3FB1] =	sst s4  }
0xd: {  	[smem:$0x3FB2] =	sst s5  }
0xe: {  	[smem:$0x3FB3] =	sst s6  }
0xf: {  	[smem:$0x3FB4] =	sst s7  }
0x10: {  	[smem:$0x3FB5] =	sst s8  }
0x11: {  	[smem:$0x3FB6] =	sst s9;
	s0 =	simm.s32 @!p0 $0x0  }
0x12: {  	s1 =	sld [smem:$0x3F9C];
	s0 =	simm.s32 @p0 $0x1  }
0x13: {  	[smem:$0x3FB7] =	sst s0;
	s0 =	simm.s32 @!p1 $0x0  }
0x14: {  	s2 =	sld [smem:$0x3F9B];
	s0 =	simm.s32 @p1 $0x1  }
0x15: {  	[smem:$0x3FB8] =	sst s0;
	s0 =	simm.s32 @!p2 $0x0  }
0x16: {  	s3 =	sld [smem:$0x3FDB];
	s0 =	simm.s32 @p2 $0x1  }
0x17: {  	s4 =	simm.s32 $0x1BF5;
	[smem:$0x3FBA] =	sst s0  }
0x18: {  	s0 =	sld [smem:$0x3F9D];
	_ =	swait.ge [sflag:s4], $0x0  }
0x19: {  	s7 =	sld [smem:$0x3F9E]  }
0x1a: {  	s8 =	sadd.s32 $0xFFFFE003, lr  }
0x1b: {  	s9 =	sadd.s32 $0xFFFFFEF7, lr;
	s5 =	simm.s32 $0xFFFFFFFF;
	p2 =	slt.u32 s8, $0xFFFFF086  }
0x1c: {  	p1 =	slt.u32 s9, $0xF7A;
	s5 =	simm.s32 @!p2 $0x0  }
0x1d: {  	s5 =	simm.s32 @p1 $0x1;
	p0 =	seq.s32 s7, s2  }
0x1e: {  	s7 =	smul.u32 @!p0 $0xF7A, s2;
	p2 =	seq.s32 @!p0 s5, $0x0  }
0x1f: {  	s9 =	smul.u32 $0xF7A, s1;
	s8 =	simm.s32 @!p0 $0x1BF5;
	p2 =	por !p2, p0  }
0x20: {  	[sflag:s8] =	ssyncset.s32 @!p0 $0xFFFFF086;
	s6 =	sadd.s32 @!p0 s3, s7;
	s7 =	simm.s32 @!p0 $0x108  }
0x21: {  	s3 =	sadd.s32 s3, s9;
	s6 =	sadd.s32 @!p0 $0x88, s6;
	s7 =	simm.s32 @p2 $0x1082  }
0x22: {  	[simem:s7], [sflag:s8] =	dma.local @!p0 [hbm:s6], $0xF7A  }
0x23: {  	s9 =	sor.u32 $0xD0000000, s2;
	s6 =	simm.s32 $0x108;
	_ =	swait.ge @!p0 [sflag:s8], $0x0  }
0x24: {  	s3 =	sadd.s32 $0x88, s3;
	s6 =	simm.s32 @!p1 $0x1082;
	[sflag:s4] =	ssyncset.s32 $0xFFFFF086  }
0x25: {  	[simem:s6], [sflag:s4] =	dma.local [hbm:s3], $0xF7A  }
0x26: {  	[smem:$0x3F9E] =	sst s1;
	(tag) =	ssettag s2;
	_ =	strace s9  }
0x27: {  	s1 =	sld [smem:$0x3FAE]  }
0x28: {  	s2 =	sld [smem:$0x3FAF]  }
0x29: {  	s4 =	sld [smem:$0x3FB1]  }
0x2a: {  	p0 =	seq.s32 s5, $0x0;
	s5 =	sld [smem:$0x3FB2]  }
0x2b: {  	s6 =	sld [smem:$0x3FB3]  }
0x2c: {  	s7 =	sld [smem:$0x3FB4]  }
0x2d: {  	s3 =	simm.s32 $0x108;
	s8 =	sld [smem:$0x3FB5]  }
0x2e: {  	s3 =	simm.s32 @!p0 $0x1082;
	s9 =	sld [smem:$0x3FB6]  }
0x2f: {  	lr =	sadd.s32 s0, s3;
	s0 =	sld [smem:$0x3FAD]  }
0x30: {  	s3 =	sld [smem:$0x3FB0]  }
0x31: {  	[smem:$0x3FB9] =	sst s10  }
0x32: {  	s10 =	sld [smem:$0x3FB7];
	_ =	sdelay $0x3  }
0x33: {  	p0 =	seq.s32 s10, $0x1;
	s10 =	sld [smem:$0x3FB9];
	_ =	sdelay $0x3  }
0x34: {  	[smem:$0x3FB9] =	sst s10  }
0x35: {  	s10 =	sld [smem:$0x3FB8];
	_ =	sdelay $0x3  }
0x36: {  	p1 =	seq.s32 s10, $0x1;
	s10 =	sld [smem:$0x3FB9];
	_ =	sdelay $0x3  }
0x37: {  	[smem:$0x3FB9] =	sst s10  }
0x38: {  	s10 =	sld [smem:$0x3FBA]  }
0x39: {  	_ = 	snop;
	(pc) =	sbr.ind lr, $3  }
0x3a: {  	_ = 	snop  }
0x3b: {  	_ = 	snop  }
0x3c: {  	p2 =	seq.s32 s10, $0x1;
	s10 =	sld [smem:$0x3FB9]  }
0x3d: {  	_ =	shalt  }
0x3e: {  	_ =	shalt  }
0x3f: {  	_ =	shalt  }
0x40: {  	_ =	shalt  }
0x41: {  	_ =	shalt  }
0x42: {  	_ =	shalt  }
0x43: {  	_ =	shalt  }
0x44: {  	_ =	shalt  }
0x45: {  	_ =	shalt  }
0x46: {  	_ =	shalt  }
0x47: {  	_ =	shalt  }
0x48: {  	_ =	shalt  }
0x49: {  	_ =	shalt  }
0x4a: {  	_ =	shalt  }
0x4b: {  	_ =	shalt  }
0x4c: {  	_ =	shalt  }
0x4d: {  	_ =	shalt  }
0x4e: {  	_ =	shalt  }
0x4f: {  	_ =	shalt  }
0x50: {  	_ =	shalt  }
0x51: {  	_ =	shalt  }
0x52: {  	_ =	shalt  }
0x53: {  	_ =	shalt  }
0x54: {  	_ =	shalt  }
0x55: {  	_ =	shalt  }
0x56: {  	_ =	shalt  }
0x57: {  	_ =	shalt  }
0x58: {  	_ =	shalt  }
0x59: {  	_ =	shalt  }
0x5a: {  	_ =	shalt  }
0x5b: {  	_ =	shalt  }
0x5c: {  	_ =	shalt  }
0x5d: {  	_ =	shalt  }
0x5e: {  	_ =	shalt  }
0x5f: {  	_ =	shalt  }
0x60: {  	_ =	shalt  }
0x61: {  	_ =	shalt  }
0x62: {  	_ =	shalt  }
0x63: {  	_ =	shalt  }
0x64: {  	_ =	shalt  }
0x65: {  	_ =	shalt  }
0x66: {  	_ =	shalt  }
0x67: {  	_ =	shalt  }
0x68: {  	_ =	shalt  }
0x69: {  	_ =	shalt  }
0x6a: {  	_ =	shalt  }
0x6b: {  	_ =	shalt  }
0x6c: {  	_ =	shalt  }
0x6d: {  	_ =	shalt  }
0x6e: {  	_ =	shalt  }
0x6f: {  	_ =	shalt  }
0x70: {  	_ =	shalt  }
0x71: {  	_ =	shalt  }
0x72: {  	_ =	shalt  }
0x73: {  	_ =	shalt  }
0x74: {  	_ =	shalt  }
0x75: {  	_ =	shalt  }
0x76: {  	_ =	shalt  }
0x77: {  	_ =	shalt  }
0x78: {  	_ =	shalt  }
0x79: {  	_ =	shalt  }
0x7a: {  	_ =	shalt  }
0x7b: {  	_ =	shalt  }
0x7c: {  	_ =	shalt  }
0x7d: {  	_ =	shalt  }
0x7e: {  	_ =	shalt  }
0x7f: {  	_ =	shalt  }
0x80: {  	_ =	shalt  }
0x81: {  	_ =	shalt  }
0x82: {  	_ =	shalt  }
0x83: {  	_ =	shalt  }
0x84: {  	_ =	shalt  }
0x85: {  	_ =	shalt  }
0x86: {  	_ =	shalt  }
0x87: {  	_ =	shalt  }
.Lfunc_end0:
.L_simem_size_0:
called_computation_lowered:
.L_overlay_start_0:
0x88: {  	s2 =	sld [smem:$0x3FD9]  }
0x89: {  	s3 =	sld [smem:$0x3FFE];
	_ =	sdelay $0x1  }
0x8a: {  	s1 =	srdreg.scid  }
0x8b: {  	s0 =	sand.u32 $0x1, s1  }
0x8c: {  	s18 =	sshll.u32 s0, $0xA;
	s2 =	sadd.s32 s3, s2  }
0x8d: {  	s2 =	sadd.s32 s2, s18  }
0x8e: {  	[smem:$0x3FC5] =	sst s2  }
0x8f: {  	_ = 	snop  }
0x90: {  	s2 =	sld [smem:$0x3FC9]  }
0x91: {  	s19 =	sld [smem:$0x3FC8]  }
0x92: {  	s4 =	sld [smem:$0x3FC7]  }
0x93: {  	s5 =	sld [smem:$0x3FD0];
	(tm) =	ssettm $0x1  }
0x94: {  	s6 =	sld [smem:$0x3FFB];
	_ =	sdelay $0x3  }
0x95: {  	_ =	strace s6  }
0x96: {  	s6 =	sld [smem:$0x3FFC];
	_ =	sdelay $0x3  }
0x97: {  	_ =	strace s6  }
0x98: {  	s6 =	sld [smem:$0x3FFD];
	_ =	sdelay $0x3  }
0x99: {  	_ =	strace s6  }
0x9a: {  	_ =	strace $0x8FFFFFFF  }
0x9b: {  	s20 =	sld [smem:$0x3FDB];
	_ =	sdelay $0x1  }
0x9c: {  	s7 =	simm.s32 $_scs_section_size  }
0x9d: {  	s8 =	simm.s32 $_size__tile_overlayer_lowered;
	s9 =	simm.s32 $_tile_overlayer_lowered  }
0x9e: {  	s23 =	simm.s32 $0x1BFF;
	s22 =	sshll.u32 s9, $0x1;
	s6 =	sadd.s32 s7, s20  }
0x9f: {  	s10 =	simm.s32 $0x0;
	s21 =	sshll.u32 s8, $0x1;
	s8 =	sadd.s32 s22, s6  }
0xa0: {  	[timem:s10], [sflag:s23] =	dma.local [hbm:s8], s21  }
0xa1: {  	_ =	swait.ge [sflag:s23], s21  }
0xa2: {  	s7 =	ssub.s32 $0x0, s21;
	[sflag:s23] =	ssyncset.done $0x0  }
0xa3: {  	[sflag:s23] =	ssyncadd.s32 s7;
	_ =	sdelay $0x1  }
0xa4: {  	s24 =	simm.s32 $0x1B8B  }
0xa5: {  	_ =	swait.ge [sflag:s24], $0x1  }
0xa6: {  	[sflag:s24] =	ssyncset.done $0x0  }
0xa7: {  	s25 =	simm.s32 $0x1B8E;
	[sflag:s24] =	ssyncadd.s32 $0xFFFFFFFF  }
0xa8: {  	s26 =	simm.s32 $execute0_lowered;
	[smem:$0x3FD2] =	sst s25  }
0xa9: {  	s7 =	sshll.u32 s26, $0x1;
	_ =	strace $0x80000046;
	[dreg:$0x1] =	wrdreg $0xFFFFFFFF  }
0xaa: {  	s28 =	simm.s32 $_size_execute0_lowered;
	s6 =	sadd.s32 s6, s7;
	[dreg:$0x0] =	wrdreg $0x0  }
0xab: {  	s7 =	sshll.u32 s28, $0x1;
	[dreg:$0x2] =	wrdreg s6  }
0xac: {  	[dreg:$0x3] =	wrdreg s7  }
0xad: {  	[dreg:$0x4] =	wrdreg $0xC0  }
0xae: {  	_ =	task [dreg:s10], $0x5FFFF  }
0xaf: {  	[dreg:$0x1] =	wrdreg $0xFFFFFFFF  }
0xb0: {  	[dreg:$0x0] =	wrdreg $0x60  }
0xb1: {  	[dreg:$0x2] =	wrdreg s2  }
0xb2: {  	[dreg:$0x3] =	wrdreg s19  }
0xb3: {  	[dreg:$0x4] =	wrdreg s4  }
0xb4: {  	[dreg:$0x5] =	wrdreg s5  }
0xb5: {  	[dreg:$0x6] =	wrdreg $0x9  }
0xb6: {  	_ =	task.clear_ibuf [dreg:s10], $0x7FFFF;
	_ =	strace $0x90000046  }
0xb7: {  	s29 =	simm.s32 $0x9;
	_ =	strace $0x80000048  }
0xb8: {  	_ =	swait.ge [sflag:s29], $0x1  }
0xb9: {  	[sflag:s29] =	ssyncadd.s32 $0xFFFFFFFF  }
0xba: {  	_ =	strace $0x90000048  }
0xbb: {  	_ =	sfence  }
0xbc: {  	s30 =	sld [smem:$0x0];
	_ =	sdelay $0x2  }
0xbd: {  	s31 =	sshll.u32 s1, $0xD;
	s1 =	sshrl.u32 s1, $0x2  }
0xbe: {  	s3 =	sand.u32 $0x4000, s31;
	s1 =	sadd.s32 s1, s30  }
0xbf: {  	s0 =	sor.u32 s3, s0;
	s1 =	sshll.u32 s1, $0x11  }
0xc0: {  	s0 =	sor.u32 s1, s0  }
0xc1: {  	s0 =	sadd.s32 $0x8F2B, s0  }
0xc2: {  	[sflag:s0] =	ssyncadd.remote.s32 $0x1  }
0xc3: {  	_ =	sfence.sel $0xFFFF  }
0xc4: {  	[dreg:$0x0] =	wrdreg $0xFFFFFFFF;
	(pc) =	sbr.abs _section_cstart, $3  }
0xc5: {  	[dreg:$0x1] =	wrdreg $0xFFFFFFFF  }
0xc6: {  	_ =	task.clear_ibuf [dreg:s10], $0x2FFFF;
	_ =	strace $0x9FFFFFFF  }
0xc7: {  	(tm) =	ssettm $0x7FFFFFFF  }
tec
execute0_lowered:
.L_overlay_start_1:
0x0: {  	(tag) =	ssettag $0x1  }
0x1: {  	s1 =	rddreg [dreg:$0x0]  }
0x2: {  	s2 =	rddreg [dreg:$0x1];
	s3 =	srdreg.scid  }
0x3: {  	s0 =	stileid.u32;
	s4 =	rddreg [dreg:$0x2]  }
0x4: {  	s5 =	rddreg [dreg:$0x3];
	s14 =	simm.s32 $0x400;
	s15 =	simm.s32 $0x7  }
0x5: {  	s16 =	simm.s32 $0x190;
	s17 =	simm.s32 $0x6800;
	s18 =	simm.s32 $0x200  }
0x6: {  	s19 =	simm.s32 $0x3;
	s20 =	simm.s32 $0x2;
	s21 =	simm.s32 $0x13000  }
0x7: {  	s22 =	simm.s32 $0x4;
	s3 =	sand.u32 $0x1, s3;
	s6 =	sshll.u32 s0, $0x1  }
0x8: {  	s23 =	simm.s32 $0x5;
	s24 =	simm.s32 $0x6;
	s7 =	sor.u32 s3, s6  }
0x9: {  	s25 =	simm.s32 $0x1;
	s6 =	simm.s32 $0x0;
	s7 =	smul.u32 $0x1900, s7  }
.Ltmp0:
0xa: {  	s3 =	ssub.s32 $0x2, s3;
	[smem:$0x7FF] =	sst s6;
	(pc) =	sbr.rel .LBB2_1-.Ltmp0, $4  }
0xb: {  	s26 =	simm.s32 $0x0;
	s9 =	sshrl.u32 s3, $0x1;
	_ =	strace $0x80000047  }
0xc: {  	s3 =	ssub.s32 s3, s9;
	s8 =	sadd.s32 $0x190, s7;
	s31 =	sshrl.u32 s7, $0x3  }
0xd: {  	s11 =	sadd.s32 $0x320, s7;
	s12 =	sadd.s32 $0x4B0, s7;
	s10 =	sshrl.u32 s8, $0x3  }
0xe: {  	s13 =	smax.u32 s3, $0x1;
	s9 =	sadd.s32 s1, s31;
	s10 =	sadd.s32 s1, s10  }
.LBB2_8:
0xf: {  	s26 =	sadd.s32 $0x1, s26  }
0x10: {  	p0 =	sne.s32 s26, s13  }
.Ltmp1:
0x11: {  	_ = 	snop;
	(pc) =	sbr.rel @!p0 .LBB2_9-.Ltmp1, $4  }
0x12: {  	_ = 	snop  }
0x13: {  	_ =	swait.ge [sflag:s24], $0xC800  }
0x14: {  	[sflag:s24] =	ssyncset.done $0x0  }
0x15: {  	[sflag:s24] =	ssyncadd.s32 $0xFFFF3800  }
.LBB2_1:
0x16: {  	[tilespmem:s14], [sflag:$0x7] =	stream.linear.gather [hbm4b:s2+s6], $0x6400, $0x38;
	[tilespmem:$0x1F800] =	vst v63  }
0x17: {  	_ =	swait.ge [sflag:s15], $0x6400  }
0x18: {  	[sflag:s15] =	ssyncset.done $0x0  }
0x19: {  	[sflag:s15] =	ssyncadd.s32 $0xFFFF9C00  }
0x1a: {  	[tilespmem:s6], [sflag:$0x7] =	stream.linear.gather [hbm4b:s9+s6], $0x190, $0x38;
	[tilespmem:$0x1F800] =	vst v63  }
0x1b: {  	_ =	swait.ge [sflag:s15], $0x190  }
0x1c: {  	[sflag:s15] =	ssyncset.done $0x0  }
0x1d: {  	[sflag:s15] =	ssyncadd.s32 $0xFFFFFE70  }
0x1e: {  	[tilespmem:s17], [sflag:$0x3] =	stream.indirect.gather [hbm4b:s4+s16], $0x80, s6, s16, $0xb8;
	[tilespmem:$0x1F800] =	vst v63  }
0x1f: {  	s28 =	simm.s32 $0x0  }
0x20: {  	[tilespmem:s18], [sflag:$0x2] =	stream.linear.gather [hbm4b:s10+s6], $0x190, $0x38;
	[tilespmem:$0x1F800] =	vst v63  }
.LBB2_2:
0x21: {  	_ =	swait.ge [sflag:s19], $0xC800  }
0x22: {  	p0 =	seq.s32 s28, $0x0;
	[sflag:s19] =	ssyncset.done $0x0  }
0x23: {  	s3 =	simm.s32 @!p0 $0x6;
	[sflag:s19] =	ssyncadd.s32 $0xFFFF3800  }
0x24: {  	_ =	swait.ge @!p0 [sflag:s3], $0xC800  }
0x25: {  	[sflag:s3] =	ssyncset.done @!p0 $0x0  }
0x26: {  	s30 =	simm.s32 $0x0;
	[sflag:s3] =	ssyncadd.s32 @!p0 $0xFFFF3800  }
0x27: {  	v0 =	vld [tilespmem:s30+$0x4F0]  }
0x28: {  	v1 =	vld [tilespmem:s30+$0x400]  }
0x29: {  	v2 =	vld [tilespmem:s30+$0x410]  }
0x2a: {  	v3 =	vld [tilespmem:s30+$0x420]  }
0x2b: {  	v4 =	vld [tilespmem:s30+$0x430]  }
0x2c: {  	v5 =	vld [tilespmem:s30+$0x440]  }
0x2d: {  	v6 =	vld [tilespmem:s30+$0x450]  }
0x2e: {  	v7 =	vld [tilespmem:s30+$0x460]  }
0x2f: {  	v8 =	vld [tilespmem:s30+$0x470]  }
0x30: {  	v9 =	vld [tilespmem:s30+$0x480]  }
0x31: {  	v10 =	vld [tilespmem:s30+$0x490]  }
0x32: {  	v11 =	vld [tilespmem:s30+$0x4A0]  }
0x33: {  	v12 =	vld [tilespmem:s30+$0x4B0]  }
0x34: {  	v13 =	vld [tilespmem:s30+$0x4C0]  }
0x35: {  	v14 =	vld [tilespmem:s30+$0x4D0]  }
0x36: {  	v15 =	vld [tilespmem:s30+$0x4E0]  }
0x37: {  	[tilespmem:s30+$0xCCF0] =	vst.add.f32.msk $0xffff, v0  }
0x38: {  	[tilespmem:s30+$0x6800] =	vst.add.f32.msk $0xffff, v1  }
0x39: {  	[tilespmem:s30+$0xCC00] =	vst.add.f32.msk $0xffff, v1  }
0x3a: {  	[tilespmem:s30+$0x6810] =	vst.add.f32.msk $0xffff, v2  }
0x3b: {  	[tilespmem:s30+$0xCC10] =	vst.add.f32.msk $0xffff, v2  }
0x3c: {  	[tilespmem:s30+$0x6820] =	vst.add.f32.msk $0xffff, v3  }
0x3d: {  	[tilespmem:s30+$0xCC20] =	vst.add.f32.msk $0xffff, v3  }
0x3e: {  	[tilespmem:s30+$0x6830] =	vst.add.f32.msk $0xffff, v4  }
0x3f: {  	[tilespmem:s30+$0xCC30] =	vst.add.f32.msk $0xffff, v4  }
0x40: {  	[tilespmem:s30+$0x6840] =	vst.add.f32.msk $0xffff, v5  }
0x41: {  	[tilespmem:s30+$0xCC40] =	vst.add.f32.msk $0xffff, v5  }
0x42: {  	[tilespmem:s30+$0x6850] =	vst.add.f32.msk $0xffff, v6  }
0x43: {  	[tilespmem:s30+$0xCC50] =	vst.add.f32.msk $0xffff, v6  }
0x44: {  	[tilespmem:s30+$0x6860] =	vst.add.f32.msk $0xffff, v7  }
0x45: {  	[tilespmem:s30+$0xCC60] =	vst.add.f32.msk $0xffff, v7  }
0x46: {  	[tilespmem:s30+$0x6870] =	vst.add.f32.msk $0xffff, v8  }
0x47: {  	[tilespmem:s30+$0xCC70] =	vst.add.f32.msk $0xffff, v8  }
0x48: {  	[tilespmem:s30+$0x6880] =	vst.add.f32.msk $0xffff, v9  }
0x49: {  	[tilespmem:s30+$0xCC80] =	vst.add.f32.msk $0xffff, v9  }
0x4a: {  	[tilespmem:s30+$0x6890] =	vst.add.f32.msk $0xffff, v10  }
0x4b: {  	[tilespmem:s30+$0xCC90] =	vst.add.f32.msk $0xffff, v10  }
0x4c: {  	[tilespmem:s30+$0x68A0] =	vst.add.f32.msk $0xffff, v11  }
0x4d: {  	[tilespmem:s30+$0xCCA0] =	vst.add.f32.msk $0xffff, v11  }
0x4e: {  	[tilespmem:s30+$0x68B0] =	vst.add.f32.msk $0xffff, v12  }
0x4f: {  	[tilespmem:s30+$0xCCB0] =	vst.add.f32.msk $0xffff, v12  }
0x50: {  	[tilespmem:s30+$0x68C0] =	vst.add.f32.msk $0xffff, v13  }
0x51: {  	[tilespmem:s30+$0xCCC0] =	vst.add.f32.msk $0xffff, v13  }
0x52: {  	[tilespmem:s30+$0x68D0] =	vst.add.f32.msk $0xffff, v14  }
0x53: {  	[tilespmem:s30+$0xCCD0] =	vst.add.f32.msk $0xffff, v14  }
0x54: {  	[tilespmem:s30+$0x68E0] =	vst.add.f32.msk $0xffff, v15  }
0x55: {  	s29 =	simm.s32 $0x0;
	s31 =	simm.s32 $0x400;
	[tilespmem:s30+$0xCCE0] =	vst.add.f32.msk $0xffff, v15  }
.LBB2_3:
0x56: {  	s29 =	sadd.s32 $0x2, s29;
	[tilespmem:s30+$0x68F0] =	vst.add.f32.msk $0xffff, v0;
	s30 =	sshra.s32 s31, $0x2  }
0x57: {  	v0 =	vld [tilespmem:s30+$0x4F0];
	p0 =	slt.u32 s29, $0xC6  }
0x58: {  	v1 =	vld [tilespmem:s30+$0x400]  }
0x59: {  	v2 =	vld [tilespmem:s30+$0x410]  }
0x5a: {  	v3 =	vld [tilespmem:s30+$0x420]  }
0x5b: {  	v4 =	vld [tilespmem:s30+$0x430]  }
0x5c: {  	[tilespmem:s30+$0xCCF0] =	vst.add.f32.msk $0xffff, v0  }
0x5d: {  	v5 =	vld [tilespmem:s30+$0x440]  }
0x5e: {  	v6 =	vld [tilespmem:s30+$0x450]  }
0x5f: {  	v7 =	vld [tilespmem:s30+$0x460]  }
0x60: {  	v8 =	vld [tilespmem:s30+$0x470]  }
0x61: {  	v9 =	vld [tilespmem:s30+$0x480]  }
0x62: {  	v10 =	vld [tilespmem:s30+$0x490]  }
0x63: {  	v11 =	vld [tilespmem:s30+$0x4A0]  }
0x64: {  	v12 =	vld [tilespmem:s30+$0x4B0]  }
0x65: {  	v13 =	vld [tilespmem:s30+$0x4C0]  }
0x66: {  	v14 =	vld [tilespmem:s30+$0x4D0]  }
0x67: {  	v15 =	vld [tilespmem:s30+$0x4E0]  }
0x68: {  	[tilespmem:s30+$0x6800] =	vst.add.f32.msk $0xffff, v1  }
0x69: {  	[tilespmem:s30+$0xCC00] =	vst.add.f32.msk $0xffff, v1  }
0x6a: {  	[tilespmem:s30+$0x6810] =	vst.add.f32.msk $0xffff, v2  }
0x6b: {  	[tilespmem:s30+$0xCC10] =	vst.add.f32.msk $0xffff, v2  }
0x6c: {  	[tilespmem:s30+$0x6820] =	vst.add.f32.msk $0xffff, v3  }
0x6d: {  	[tilespmem:s30+$0xCC20] =	vst.add.f32.msk $0xffff, v3  }
0x6e: {  	[tilespmem:s30+$0x6830] =	vst.add.f32.msk $0xffff, v4  }
0x6f: {  	[tilespmem:s30+$0xCC30] =	vst.add.f32.msk $0xffff, v4  }
0x70: {  	[tilespmem:s30+$0x6840] =	vst.add.f32.msk $0xffff, v5  }
0x71: {  	[tilespmem:s30+$0xCC40] =	vst.add.f32.msk $0xffff, v5  }
0x72: {  	[tilespmem:s30+$0x6850] =	vst.add.f32.msk $0xffff, v6  }
0x73: {  	[tilespmem:s30+$0xCC50] =	vst.add.f32.msk $0xffff, v6  }
0x74: {  	[tilespmem:s30+$0x6860] =	vst.add.f32.msk $0xffff, v7  }
0x75: {  	[tilespmem:s30+$0xCC60] =	vst.add.f32.msk $0xffff, v7  }
0x76: {  	[tilespmem:s30+$0x6870] =	vst.add.f32.msk $0xffff, v8  }
0x77: {  	[tilespmem:s30+$0xCC70] =	vst.add.f32.msk $0xffff, v8  }
0x78: {  	[tilespmem:s30+$0x6880] =	vst.add.f32.msk $0xffff, v9  }
0x79: {  	[tilespmem:s30+$0xCC80] =	vst.add.f32.msk $0xffff, v9  }
0x7a: {  	[tilespmem:s30+$0x6890] =	vst.add.f32.msk $0xffff, v10  }
0x7b: {  	[tilespmem:s30+$0xCC90] =	vst.add.f32.msk $0xffff, v10  }
0x7c: {  	[tilespmem:s30+$0x68A0] =	vst.add.f32.msk $0xffff, v11  }
0x7d: {  	[tilespmem:s30+$0xCCA0] =	vst.add.f32.msk $0xffff, v11  }
0x7e: {  	[tilespmem:s30+$0x68B0] =	vst.add.f32.msk $0xffff, v12  }
0x7f: {  	[tilespmem:s30+$0xCCB0] =	vst.add.f32.msk $0xffff, v12  }
0x80: {  	[tilespmem:s30+$0x68C0] =	vst.add.f32.msk $0xffff, v13  }
.Ltmp2:
0x81: {  	[tilespmem:s30+$0xCCC0] =	vst.add.f32.msk $0xffff, v13;
	(pc) =	sbr.rel @p0 .LBB2_3-.Ltmp2, $4  }
0x82: {  	[tilespmem:s30+$0x68D0] =	vst.add.f32.msk $0xffff, v14  }
0x83: {  	[tilespmem:s30+$0xCCD0] =	vst.add.f32.msk $0xffff, v14  }
0x84: {  	[tilespmem:s30+$0x68E0] =	vst.add.f32.msk $0xffff, v15  }
0x85: {  	s31 =	sadd.s32 $0x400, s31;
	[tilespmem:s30+$0xCCE0] =	vst.add.f32.msk $0xffff, v15  }
0x86: {  	s29 =	smul.u32 $0x320, s28;
	_ =	sdelay $0x1  }
0x87: {  	s3 =	sadd.s32 s7, s29  }
0x88: {  	s3 =	sshll.u32 s3, $0x4  }
0x89: {  	[tilespmem:s30+$0x68F0] =	vst.add.f32.msk $0xffff, v0;
	s3 =	sadd.s32 s5, s3  }
0x8a: {  	[hbm4b:s3+s6] =	stream.linear.scatter [tilespmem:s17], [sflag:$0x5], $0xC800, $0x38;
	[tilespmem:$0x1F800] =	vst v63  }
0x8b: {  	p0 =	seq.s32 s28, $0x7;
	_ =	swait.ge [sflag:s20], $0x190  }
0x8c: {  	s3 =	sadd.s32 @!p0 s29, s11;
	[sflag:s20] =	ssyncset.done $0x0  }
0x8d: {  	s3 =	sshrl.u32 @!p0 s3, $0x3;
	[sflag:s20] =	ssyncadd.s32 $0xFFFFFE70  }
0x8e: {  	[tilespmem:s21], [sflag:$0x4] =	stream.indirect.gather [hbm4b:s4+s16], $0x80, s18, s16, $0xb8;
	[tilespmem:$0x1F800] =	vst v63  }
0x8f: {  	s30 =	simm.s32 @!p0 $0x0;
	s3 =	sadd.s32 @!p0 s1, s3  }
0x90: {  	[tilespmem:s30], [sflag:$0x1] =	stream.linear.gather @!p0 [hbm4b:s3+s30], $0x190, $0x38;
	[tilespmem:$0x1F800] =	vst v63  }
0x91: {  	_ =	swait.ge [sflag:s22], $0xC800  }
0x92: {  	[sflag:s22] =	ssyncset.done $0x0  }
0x93: {  	[sflag:s22] =	ssyncadd.s32 $0xFFFF3800  }
0x94: {  	_ =	swait.ge [sflag:s23], $0xC800  }
0x95: {  	[sflag:s23] =	ssyncset.done $0x0  }
0x96: {  	s30 =	simm.s32 $0x0;
	[sflag:s23] =	ssyncadd.s32 $0xFFFF3800  }
0x97: {  	v0 =	vld [tilespmem:s30+$0x4F0]  }
0x98: {  	v1 =	vld [tilespmem:s30+$0x400]  }
0x99: {  	v2 =	vld [tilespmem:s30+$0x410]  }
0x9a: {  	v3 =	vld [tilespmem:s30+$0x420]  }
0x9b: {  	v4 =	vld [tilespmem:s30+$0x430]  }
0x9c: {  	v5 =	vld [tilespmem:s30+$0x440]  }
0x9d: {  	v6 =	vld [tilespmem:s30+$0x450]  }
0x9e: {  	v7 =	vld [tilespmem:s30+$0x460]  }
0x9f: {  	v8 =	vld [tilespmem:s30+$0x470]  }
0xa0: {  	v9 =	vld [tilespmem:s30+$0x480]  }
0xa1: {  	v10 =	vld [tilespmem:s30+$0x490]  }
0xa2: {  	v11 =	vld [tilespmem:s30+$0x4A0]  }
0xa3: {  	v12 =	vld [tilespmem:s30+$0x4B0]  }
0xa4: {  	v13 =	vld [tilespmem:s30+$0x4C0]  }
0xa5: {  	v14 =	vld [tilespmem:s30+$0x4D0]  }
0xa6: {  	v15 =	vld [tilespmem:s30+$0x4E0]  }
0xa7: {  	[tilespmem:s30+$0x194F0] =	vst.add.f32.msk $0xffff, v0  }
0xa8: {  	[tilespmem:s30+$0x13000] =	vst.add.f32.msk $0xffff, v1  }
0xa9: {  	[tilespmem:s30+$0x19400] =	vst.add.f32.msk $0xffff, v1  }
0xaa: {  	[tilespmem:s30+$0x13010] =	vst.add.f32.msk $0xffff, v2  }
0xab: {  	[tilespmem:s30+$0x19410] =	vst.add.f32.msk $0xffff, v2  }
0xac: {  	[tilespmem:s30+$0x13020] =	vst.add.f32.msk $0xffff, v3  }
0xad: {  	[tilespmem:s30+$0x19420] =	vst.add.f32.msk $0xffff, v3  }
0xae: {  	[tilespmem:s30+$0x13030] =	vst.add.f32.msk $0xffff, v4  }
0xaf: {  	[tilespmem:s30+$0x19430] =	vst.add.f32.msk $0xffff, v4  }
0xb0: {  	[tilespmem:s30+$0x13040] =	vst.add.f32.msk $0xffff, v5  }
0xb1: {  	[tilespmem:s30+$0x19440] =	vst.add.f32.msk $0xffff, v5  }
0xb2: {  	[tilespmem:s30+$0x13050] =	vst.add.f32.msk $0xffff, v6  }
0xb3: {  	[tilespmem:s30+$0x19450] =	vst.add.f32.msk $0xffff, v6  }
0xb4: {  	[tilespmem:s30+$0x13060] =	vst.add.f32.msk $0xffff, v7  }
0xb5: {  	[tilespmem:s30+$0x19460] =	vst.add.f32.msk $0xffff, v7  }
0xb6: {  	[tilespmem:s30+$0x13070] =	vst.add.f32.msk $0xffff, v8  }
0xb7: {  	[tilespmem:s30+$0x19470] =	vst.add.f32.msk $0xffff, v8  }
0xb8: {  	[tilespmem:s30+$0x13080] =	vst.add.f32.msk $0xffff, v9  }
0xb9: {  	[tilespmem:s30+$0x19480] =	vst.add.f32.msk $0xffff, v9  }
0xba: {  	[tilespmem:s30+$0x13090] =	vst.add.f32.msk $0xffff, v10  }
0xbb: {  	[tilespmem:s30+$0x19490] =	vst.add.f32.msk $0xffff, v10  }
0xbc: {  	[tilespmem:s30+$0x130A0] =	vst.add.f32.msk $0xffff, v11  }
0xbd: {  	[tilespmem:s30+$0x194A0] =	vst.add.f32.msk $0xffff, v11  }
0xbe: {  	[tilespmem:s30+$0x130B0] =	vst.add.f32.msk $0xffff, v12  }
0xbf: {  	[tilespmem:s30+$0x194B0] =	vst.add.f32.msk $0xffff, v12  }
0xc0: {  	[tilespmem:s30+$0x130C0] =	vst.add.f32.msk $0xffff, v13  }
0xc1: {  	[tilespmem:s30+$0x194C0] =	vst.add.f32.msk $0xffff, v13  }
0xc2: {  	[tilespmem:s30+$0x130D0] =	vst.add.f32.msk $0xffff, v14  }
0xc3: {  	[tilespmem:s30+$0x194D0] =	vst.add.f32.msk $0xffff, v14  }
0xc4: {  	[tilespmem:s30+$0x130E0] =	vst.add.f32.msk $0xffff, v15  }
0xc5: {  	s31 =	simm.s32 $0x0;
	s3 =	simm.s32 $0x400;
	[tilespmem:s30+$0x194E0] =	vst.add.f32.msk $0xffff, v15  }
.LBB2_5:
0xc6: {  	s31 =	sadd.s32 $0x2, s31;
	[tilespmem:s30+$0x130F0] =	vst.add.f32.msk $0xffff, v0;
	s30 =	sshra.s32 s3, $0x2  }
0xc7: {  	v0 =	vld [tilespmem:s30+$0x4F0];
	p1 =	slt.u32 s31, $0xC6  }
0xc8: {  	v1 =	vld [tilespmem:s30+$0x400]  }
0xc9: {  	v2 =	vld [tilespmem:s30+$0x410]  }
0xca: {  	v3 =	vld [tilespmem:s30+$0x420]  }
0xcb: {  	v4 =	vld [tilespmem:s30+$0x430]  }
0xcc: {  	[tilespmem:s30+$0x194F0] =	vst.add.f32.msk $0xffff, v0  }
0xcd: {  	v5 =	vld [tilespmem:s30+$0x440]  }
0xce: {  	v6 =	vld [tilespmem:s30+$0x450]  }
0xcf: {  	v7 =	vld [tilespmem:s30+$0x460]  }
0xd0: {  	v8 =	vld [tilespmem:s30+$0x470]  }
0xd1: {  	v9 =	vld [tilespmem:s30+$0x480]  }
0xd2: {  	v10 =	vld [tilespmem:s30+$0x490]  }
0xd3: {  	v11 =	vld [tilespmem:s30+$0x4A0]  }
0xd4: {  	v12 =	vld [tilespmem:s30+$0x4B0]  }
0xd5: {  	v13 =	vld [tilespmem:s30+$0x4C0]  }
0xd6: {  	v14 =	vld [tilespmem:s30+$0x4D0]  }
0xd7: {  	v15 =	vld [tilespmem:s30+$0x4E0]  }
0xd8: {  	[tilespmem:s30+$0x13000] =	vst.add.f32.msk $0xffff, v1  }
0xd9: {  	[tilespmem:s30+$0x19400] =	vst.add.f32.msk $0xffff, v1  }
0xda: {  	[tilespmem:s30+$0x13010] =	vst.add.f32.msk $0xffff, v2  }
0xdb: {  	[tilespmem:s30+$0x19410] =	vst.add.f32.msk $0xffff, v2  }
0xdc: {  	[tilespmem:s30+$0x13020] =	vst.add.f32.msk $0xffff, v3  }
0xdd: {  	[tilespmem:s30+$0x19420] =	vst.add.f32.msk $0xffff, v3  }
0xde: {  	[tilespmem:s30+$0x13030] =	vst.add.f32.msk $0xffff, v4  }
0xdf: {  	[tilespmem:s30+$0x19430] =	vst.add.f32.msk $0xffff, v4  }
0xe0: {  	[tilespmem:s30+$0x13040] =	vst.add.f32.msk $0xffff, v5  }
0xe1: {  	[tilespmem:s30+$0x19440] =	vst.add.f32.msk $0xffff, v5  }
0xe2: {  	[tilespmem:s30+$0x13050] =	vst.add.f32.msk $0xffff, v6  }
0xe3: {  	[tilespmem:s30+$0x19450] =	vst.add.f32.msk $0xffff, v6  }
0xe4: {  	[tilespmem:s30+$0x13060] =	vst.add.f32.msk $0xffff, v7  }
0xe5: {  	[tilespmem:s30+$0x19460] =	vst.add.f32.msk $0xffff, v7  }
0xe6: {  	[tilespmem:s30+$0x13070] =	vst.add.f32.msk $0xffff, v8  }
0xe7: {  	[tilespmem:s30+$0x19470] =	vst.add.f32.msk $0xffff, v8  }
0xe8: {  	[tilespmem:s30+$0x13080] =	vst.add.f32.msk $0xffff, v9  }
0xe9: {  	[tilespmem:s30+$0x19480] =	vst.add.f32.msk $0xffff, v9  }
0xea: {  	[tilespmem:s30+$0x13090] =	vst.add.f32.msk $0xffff, v10  }
0xeb: {  	[tilespmem:s30+$0x19490] =	vst.add.f32.msk $0xffff, v10  }
0xec: {  	[tilespmem:s30+$0x130A0] =	vst.add.f32.msk $0xffff, v11  }
0xed: {  	[tilespmem:s30+$0x194A0] =	vst.add.f32.msk $0xffff, v11  }
0xee: {  	[tilespmem:s30+$0x130B0] =	vst.add.f32.msk $0xffff, v12  }
0xef: {  	[tilespmem:s30+$0x194B0] =	vst.add.f32.msk $0xffff, v12  }
0xf0: {  	[tilespmem:s30+$0x130C0] =	vst.add.f32.msk $0xffff, v13  }
.Ltmp3:
0xf1: {  	[tilespmem:s30+$0x194C0] =	vst.add.f32.msk $0xffff, v13;
	(pc) =	sbr.rel @p1 .LBB2_5-.Ltmp3, $4  }
0xf2: {  	[tilespmem:s30+$0x130D0] =	vst.add.f32.msk $0xffff, v14  }
0xf3: {  	[tilespmem:s30+$0x194D0] =	vst.add.f32.msk $0xffff, v14  }
0xf4: {  	[tilespmem:s30+$0x130E0] =	vst.add.f32.msk $0xffff, v15  }
0xf5: {  	s3 =	sadd.s32 $0x400, s3;
	[tilespmem:s30+$0x194E0] =	vst.add.f32.msk $0xffff, v15  }
.Ltmp4:
0xf6: {  	(pc) =	sbr.rel @p0 .LBB2_8-.Ltmp4, $4  }
0xf7: {  	s3 =	sadd.s32 s29, s8  }
0xf8: {  	s3 =	sshll.u32 s3, $0x4  }
0xf9: {  	[tilespmem:s30+$0x130F0] =	vst.add.f32.msk $0xffff, v0;
	s3 =	sadd.s32 s5, s3  }
0xfa: {  	[hbm4b:s3+s6] =	stream.linear.scatter [tilespmem:s21], [sflag:$0x6], $0xC800, $0x38;
	[tilespmem:$0x1F800] =	vst v63  }
0xfb: {  	_ =	swait.ge [sflag:s25], $0x190  }
.Ltmp5:
0xfc: {  	s3 =	sadd.s32 s29, s12;
	[sflag:s25] =	ssyncset.done $0x0;
	(pc) =	sbr.rel .LBB2_2-.Ltmp5, $4  }
0xfd: {  	s3 =	sshrl.u32 s3, $0x3;
	[sflag:s25] =	ssyncadd.s32 $0xFFFFFE70  }
0xfe: {  	[tilespmem:s17], [sflag:$0x3] =	stream.indirect.gather [hbm4b:s4+s16], $0x80, s6, s16, $0xb8;
	[tilespmem:$0x1F800] =	vst v63  }
0xff: {  	s28 =	sadd.s32 $0x1, s28;
	s3 =	sadd.s32 s1, s3  }
0x100: {  	[tilespmem:s18], [sflag:$0x2] =	stream.linear.gather [hbm4b:s3+s6], $0x190, $0x38;
	[tilespmem:$0x1F800] =	vst v63  }
.LBB2_9:
0x101: {  	_ =	sfence.sel $0x180000  }
0x102: {  	[bflag:$0x0] =	sbarrier.arrive $0xFFFF  }
0x103: {  	_ =	strace $0x90000047  }
0x104: {  	[bflag:$0x2] =	sbarrier.arrive $0xFFFF  }
0x105: {  	p0 =	sne.s32 s0, $0x0;
	s0 =	rddreg [dreg:$0x4]  }
0x106: {  	s0 =	sadd.s32 @!p0 $0x100000, s0  }
0x107: {  	[sflag:s0] =	ssyncadd.tile.s32 @!p0 $0x1;
	_ =	shalt  }
.Lfunc_end2:
_tile_overlayer_lowered:
.L_overlay_start_2:
0x108: {  	(tag) =	ssettag $0x2  }
0x109: {  	s0 =	rddreg [dreg:$0x0];
	s2 =	stileid.u32  }
0x10a: {  	s1 =	rddreg [dreg:$0x1];
	p0 =	sne.s32 s2, $0x0  }
0x10b: {  	s3 =	rddreg [dreg:$0x2];
	[bflag:$0x3] =	sbarrier.arrive $0xFFFF;
	s2 =	simm.s32 @!p0 $0x1C07  }
0x10c: {  	[timem:s3], [sflag:s2] =	dma.local @!p0 [hbm:s0], s1  }
0x10d: {  	s0 =	simm.s32 @!p0 $0x7  }
0x10e: {  	_ =	swait.ge @!p0 [sflag:s0], s1  }
0x10f: {  	s1 =	ssub.s32 @!p0 $0x0, s1;
	[sflag:s0] =	ssyncset.done @!p0 $0x0  }
0x110: {  	[sflag:s0] =	ssyncadd.s32 @!p0 s1  }
0x111: {  	[bflag:$0x3] =	sbarrier.arrive $0xFFFF  }
0x112: {  	_ =	shalt  }

</sc_bundles>
